<compile_context>
chip_gen: v7x
topology: tpu7x:2x2x1
jax: 0.10.2.dev20260603
libtpu: 0.0.44.dev20260713+nightly
codegen_flags: <defaults>
</compile_context>

<pallas_src>
import functools

import jax
import jax.numpy as jnp
from jax import lax
from jax.experimental import pallas as pl
from jax.experimental.pallas import tpu as pltpu
from jax.experimental.pallas import tpu_sc as plsc

N_EMBED = 1000
D_MODEL = 128
LENGTH = 200
BATCH = 4096
SCALE = float(D_MODEL) ** 0.5

NUM_CORES = 2
NUM_SUBCORES = 16
NUM_WORKERS = NUM_CORES * NUM_SUBCORES
ROWS_PER_WORKER = BATCH // NUM_WORKERS
LANES = 16
GROUPS = ROWS_PER_WORKER // LANES
D_CHUNKS = D_MODEL // LANES


ROWS_PER_TILE = 63


def _embed_body(
    xt_hbm, band_hbm, pos_hbm, out_hbm,
    xg, idxt, posv, buf0, buf1, table_sh, sg0, sg1, so0, so1,
):
    c = lax.axis_index("c")
    s = lax.axis_index("s")
    wid = s * NUM_CORES + c
    base = wid * ROWS_PER_WORKER

    @pl.when(s == 0)
    def _():
        pltpu.async_copy(band_hbm, table_sh, sg0)

    pltpu.sync_copy(pos_hbm, posv)

    def group_body(g, carry):
        gbase = base + g * LANES
        pltpu.sync_copy(xt_hbm.at[:, pl.ds(gbase, LANES)], xg)

        def max_body(l, m):
            return jnp.maximum(m, xg[l])

        m = lax.fori_loop(
            0, LENGTH, max_body, jnp.full((LANES,), -jnp.inf, jnp.float32)
        )

        def quant_body(l, carry2):
            v = xg[l] / m * jnp.float32(N_EMBED - 1)
            v = jnp.where(v < 0.0, 0.0, v)
            idxt[l, pl.ds(g * LANES, LANES)] = v.astype(jnp.int32)
            return carry2

        lax.fori_loop(0, LENGTH, quant_body, 0)
        return carry

    lax.fori_loop(0, GROUPS, group_body, 0)

    @pl.when(s == 0)
    def _():
        pltpu.make_async_copy(band_hbm, table_sh, sg0).wait()

    plsc.subcore_barrier()

    out_slice = out_hbm.at[pl.ds(base, ROWS_PER_WORKER)]

    def compute(buf, l):
        pv = [posv[l, pl.ds(j * LANES, LANES)] for j in range(D_CHUNKS)]

        @plsc.parallel_loop(0, ROWS_PER_WORKER, unroll=8)
        def add_body(t):
            for j in range(D_CHUNKS):
                sl = pl.ds(j * LANES, LANES)
                buf[t, sl] = buf[t, sl] * SCALE + pv[j]

    def gather_issue(l, buf, sem):
        pltpu.async_copy(table_sh.at[idxt.at[l]], buf, sem)

    def gather_wait(l, buf, sem):
        pltpu.make_async_copy(table_sh.at[idxt.at[l]], buf, sem).wait()

    def out_issue(l, buf, sem):
        pltpu.async_copy(buf, out_slice.at[:, l], sem)

    def out_wait(l, buf, sem):
        pltpu.make_async_copy(buf, out_slice.at[:, l], sem).wait()

    gather_issue(0, buf0, sg0)

    def pair_body(k, carry):
        l0 = 2 * k
        l1 = l0 + 1
        gather_wait(l0, buf0, sg0)

        @pl.when(k >= 1)
        def _():
            out_wait(l1, buf1, so1)

        gather_issue(l1, buf1, sg1)
        compute(buf0, l0)
        out_issue(l0, buf0, so0)
        gather_wait(l1, buf1, sg1)
        compute(buf1, l1)
        out_issue(l1, buf1, so1)
        out_wait(l0, buf0, so0)

        @pl.when(k < LENGTH // 2 - 1)
        def _():
            gather_issue(l0 + 2, buf0, sg0)

        return carry

    lax.fori_loop(0, LENGTH // 2, pair_body, 0)
    out_wait(LENGTH - 1, buf1, so1)


def kernel(x, embed_band, embed_pos):
    xt = x.reshape(BATCH, LENGTH).T
    mesh = plsc.VectorSubcoreMesh(core_axis_name="c", subcore_axis_name="s")
    k = functools.partial(
        pl.kernel,
        mesh=mesh,
        compiler_params=pltpu.CompilerParams(
            use_tc_tiling_on_sc=False, needs_layout_passes=False
        ),
        out_type=jax.ShapeDtypeStruct((BATCH, LENGTH, D_MODEL), jnp.float32),
        scratch_types=[
            pltpu.VMEM((LENGTH, LANES), jnp.float32),
            pltpu.VMEM((LENGTH, ROWS_PER_WORKER), jnp.int32),
            pltpu.VMEM((LENGTH, D_MODEL), jnp.float32),
            pltpu.VMEM((ROWS_PER_WORKER, D_MODEL), jnp.float32),
            pltpu.VMEM((ROWS_PER_WORKER, D_MODEL), jnp.float32),
            pltpu.VMEM_SHARED((N_EMBED, D_MODEL), jnp.float32),
            pltpu.SemaphoreType.DMA,
            pltpu.SemaphoreType.DMA,
            pltpu.SemaphoreType.DMA,
            pltpu.SemaphoreType.DMA,
        ],
    )(_embed_body)
    return k(xt, embed_band, embed_pos)

# --- scband reference (transcript-rebuilt; emitter-appended) ---
"""Pipeline reference for scband-embedding-layer-20023137534404 (READ-ONLY COPY).

The authoritative reference and input builder live on the scoring server;
editing this copy changes nothing except your own understanding.
"""

import jax, jax.numpy as jnp
import numpy as np

N_EMBED = 1000
D_MODEL = 128
LENGTH = 200
BATCH = 4096


def setup_inputs(seed: int = 0) -> dict:
    key = jax.random.key(seed)
    k1, k2, k3 = jax.random.split(key, 3)
    x = jax.random.uniform(k1, (BATCH, 1, LENGTH), dtype=jnp.float32)
    # learned parameters (nn.Embedding default init ~ N(0,1))
    embed_band = jax.random.normal(k2, (N_EMBED, D_MODEL), dtype=jnp.float32)
    embed_pos = jax.random.normal(k3, (LENGTH, D_MODEL), dtype=jnp.float32)
    return {"x": x, "embed_band": embed_band, "embed_pos": embed_pos}


def reference(x, embed_band, embed_pos):
    # EmbeddingLayer.forward (dropout in eval mode -> identity)
    scale = float(D_MODEL) ** 0.5
    xs = jnp.squeeze(x, axis=1)  # [B, L]
    # QuantizeEmbedding.forward
    x_norm = xs / jnp.max(xs, axis=-1, keepdims=True) * (N_EMBED - 1)
    x_norm = jnp.where(x_norm < 0, 0.0, x_norm).astype(jnp.int32)
    band = jnp.take(embed_band, x_norm, axis=0)  # [B, L, D]
    pos = jnp.arange(LENGTH, dtype=jnp.int32)  # [L]
    pos_emb = jnp.take(embed_pos, pos, axis=0)[None, :, :]  # [1, L, D]
    out = band * scale + pos_emb
    return out

if __name__ == "__main__":
    import jax
    _d = setup_inputs()
    print(jax.jit(kernel)(*tuple(_d.values())))

</pallas_src>

<mosaic_0001>
#map = affine_map<(d0, d1) -> (0, 0)>
#map1 = affine_map<(d0, d1) -> (0, 0, 0)>
module attributes {stable_mosaic.version = 14 : i64} {
  func.func @_embed_body(%arg0: i32, %arg1: i32, %arg2: memref<200x4096xf32, #tpu.memory_space<hbm>>, %arg3: memref<1000x128xf32, #tpu.memory_space<hbm>>, %arg4: memref<200x128xf32, #tpu.memory_space<hbm>>, %arg5: memref<4096x200x128xf32, #tpu.memory_space<hbm>>, %arg6: memref<200x16xf32, #tpu.memory_space<vmem>>, %arg7: memref<200x128xi32, #tpu.memory_space<vmem>>, %arg8: memref<200x128xf32, #tpu.memory_space<vmem>>, %arg9: memref<128x128xf32, #tpu.memory_space<vmem>>, %arg10: memref<128x128xf32, #tpu.memory_space<vmem>>, %arg11: memref<1000x128xf32, #tpu.memory_space<vmem_shared>>, %arg12: memref<!tpu.dma_semaphore, #tpu.memory_space<semaphore_mem>>, %arg13: memref<!tpu.dma_semaphore, #tpu.memory_space<semaphore_mem>>, %arg14: memref<!tpu.dma_semaphore, #tpu.memory_space<semaphore_mem>>, %arg15: memref<!tpu.dma_semaphore, #tpu.memory_space<semaphore_mem>>) attributes {dimension_semantics = [#tpu.dimension_semantics<core_parallel>, #tpu.dimension_semantics<subcore_parallel>], iteration_bounds = array<i64: 2, 16>, scalar_prefetch = 0 : i64, scratch_operands = 10 : i64, tpu.core_type = #tpu.core_type<sc_vector_subcore>, window_params = [{transform_indices = #map}, {transform_indices = #map}, {transform_indices = #map}, {transform_indices = #map1}]} {
    %mul3A = arith.constant 2 : i32
    %mul3A_0 = arith.muli %arg1, %mul3A : i32
    %add3A = arith.addi %mul3A_0, %arg0 : i32
    %mul3A_1 = arith.constant 128 : i32
    %mul3A_2 = arith.muli %add3A, %mul3A_1 : i32
    %eq3A = arith.constant 0 : i32
    %eq3A_3 = arith.cmpi eq, %arg1, %eq3A : i32
    %convert_element_type3A = arith.extui %eq3A_3 : i1 to i32
    %cond3A = arith.constant 0 : i32
    %cond3A_4 = arith.cmpi ne, %convert_element_type3A, %cond3A : i32
    scf.if %cond3A_4 {
      tpu.enqueue_dma source(%arg3 : memref<1000x128xf32, #tpu.memory_space<hbm>>) target(%arg11 : memref<1000x128xf32, #tpu.memory_space<vmem_shared>>) target_semaphore(%arg12 : memref<!tpu.dma_semaphore, #tpu.memory_space<semaphore_mem>>)
    } else {
    }
    "tpu.region"() ({
      %run_scoped3A = tpu.sem_alloc : memref<!tpu.dma_semaphore, #tpu.memory_space<semaphore_mem>>
      tpu.enqueue_dma source(%arg4 : memref<200x128xf32, #tpu.memory_space<hbm>>) target(%arg8 : memref<200x128xf32, #tpu.memory_space<vmem>>) target_semaphore(%run_scoped3A : memref<!tpu.dma_semaphore, #tpu.memory_space<semaphore_mem>>)
      tpu.wait_dma2 semaphore(%run_scoped3A : memref<!tpu.dma_semaphore, #tpu.memory_space<semaphore_mem>>) src(%arg4 : memref<200x128xf32, #tpu.memory_space<hbm>>) dst(%arg8 : memref<200x128xf32, #tpu.memory_space<vmem>>)
      tpu.yield
    }) : () -> ()
    %scan3A = arith.constant 0 : i32
    %scan3A_5 = arith.constant 0 : i32
    %scan3A_6 = arith.constant 8 : i32
    %scan3A_7 = arith.addi %scan3A_5, %scan3A_6 : i32
    %scan3A_8 = arith.constant 1 : i32
    scf.for %scan3A_41 = %scan3A_5 to %scan3A_7 step %scan3A_8  : i32 {
      %mul3A_42 = arith.constant 16 : i32
      %mul3A_43 = arith.muli %scan3A_41, %mul3A_42 : i32
      %add3A_44 = arith.addi %mul3A_2, %mul3A_43 : i32
      "tpu.region"() ({
        %run_scoped3A = tpu.sem_alloc : memref<!tpu.dma_semaphore, #tpu.memory_space<semaphore_mem>>
        %dma_start3A_58 = arith.constant 0 : i32
        %dma_start3A_59 = tpu.memref_slice %arg2[%dma_start3A_58, %add3A_44] : memref<200x4096xf32, #tpu.memory_space<hbm>> -> memref<200x16xf32, #tpu.memory_space<hbm>>
        %dma_start3A_60 = arith.constant 0 : i32
        %dma_start3A_61 = tpu.memref_slice %arg2[%dma_start3A_60, %add3A_44] : memref<200x4096xf32, #tpu.memory_space<hbm>> -> memref<200x16xf32, #tpu.memory_space<hbm>>
        tpu.enqueue_dma source(%dma_start3A_61 : memref<200x16xf32, #tpu.memory_space<hbm>>) target(%arg6 : memref<200x16xf32, #tpu.memory_space<vmem>>) target_semaphore(%run_scoped3A : memref<!tpu.dma_semaphore, #tpu.memory_space<semaphore_mem>>)
        %dma_wait3A_62 = arith.constant 0 : i32
        %dma_wait3A_63 = tpu.memref_slice %arg2[%dma_wait3A_62, %add3A_44] : memref<200x4096xf32, #tpu.memory_space<hbm>> -> memref<200x16xf32, #tpu.memory_space<hbm>>
        %dma_wait3A_64 = arith.constant 0 : i32
        %dma_wait3A_65 = tpu.memref_slice %arg2[%dma_wait3A_64, %add3A_44] : memref<200x4096xf32, #tpu.memory_space<hbm>> -> memref<200x16xf32, #tpu.memory_space<hbm>>
        tpu.wait_dma2 semaphore(%run_scoped3A : memref<!tpu.dma_semaphore, #tpu.memory_space<semaphore_mem>>) src(%dma_wait3A_65 : memref<200x16xf32, #tpu.memory_space<hbm>>) dst(%arg6 : memref<200x16xf32, #tpu.memory_space<vmem>>)
        tpu.yield
      }) : () -> ()
      %broadcast_in_dim3A = arith.constant 0xFF800000 : f32
      %broadcast_in_dim3A_45 = vector.broadcast %broadcast_in_dim3A : f32 to vector<16xf32>
      %scan3A_46 = arith.constant 0 : i32
      %scan3A_47 = arith.constant 200 : i32
      %scan3A_48 = arith.addi %scan3A_46, %scan3A_47 : i32
      %scan3A_49 = arith.constant 1 : i32
      %scan3A_50 = scf.for %scan3A_58 = %scan3A_46 to %scan3A_48 step %scan3A_49 iter_args(%scan3A_59 = %broadcast_in_dim3A_45) -> (vector<16xf32>)  : i32 {
        %get3A = arith.index_cast %scan3A_58 : i32 to index
        %get3A_60 = arith.constant 0 : index
        %get3A_61 = tpu.vector_load %arg6[%get3A, %get3A_60] {strides = array<i32>} : memref<200x16xf32, #tpu.memory_space<vmem>>, vector<16xf32>,
        %max3A = arith.maximumf %scan3A_59, %get3A_61 : vector<16xf32>
        scf.yield %max3A : vector<16xf32>
      }
      %scan3A_51 = arith.constant 200 : i32
      %scan3A_52 = arith.constant 0 : i32
      %scan3A_53 = arith.constant 0 : i32
      %scan3A_54 = arith.constant 200 : i32
      %scan3A_55 = arith.addi %scan3A_53, %scan3A_54 : i32
      %scan3A_56 = arith.constant 1 : i32
      scf.for %scan3A_58 = %scan3A_53 to %scan3A_55 step %scan3A_56  : i32 {
        %get3A = arith.index_cast %scan3A_58 : i32 to index
        %get3A_59 = arith.constant 0 : index
        %get3A_60 = tpu.vector_load %arg6[%get3A, %get3A_59] {strides = array<i32>} : memref<200x16xf32, #tpu.memory_space<vmem>>, vector<16xf32>,
        %div3A = arith.divf %get3A_60, %scan3A_50 : vector<16xf32>
        %mul3A_61 = arith.constant 9.990000e+02 : f32
        %mul3A_62 = vector.broadcast %mul3A_61 : f32 to vector<16xf32>
        %mul3A_63 = arith.mulf %div3A, %mul3A_62 : vector<16xf32>
        %lt3A = arith.constant 0.000000e+00 : f32
        %lt3A_64 = vector.broadcast %lt3A : f32 to vector<16xf32>
        %lt3A_65 = arith.cmpf olt, %mul3A_63, %lt3A_64 : vector<16xf32>
        %jit3A = arith.constant 0.000000e+00 : f32
        %broadcast_in_dim3A_66 = vector.broadcast %jit3A : f32 to vector<16xf32>
        %select_n3A = arith.select %lt3A_65, %broadcast_in_dim3A_66, %mul3A_63 : vector<16xi1>, vector<16xf32>
        %convert_element_type3A_67 = arith.fptosi %select_n3A : vector<16xf32> to vector<16xi32>
        %mul3A_68 = arith.constant 16 : i32
        %mul3A_69 = arith.muli %scan3A_41, %mul3A_68 : i32
        %swap3A = arith.index_cast %scan3A_58 : i32 to index
        %swap3A_70 = arith.index_cast %mul3A_69 : i32 to index
        %swap3A_71 = tpu.vector_load %arg7[%swap3A, %swap3A_70] {strides = array<i32>} : memref<200x128xi32, #tpu.memory_space<vmem>>, vector<16xi32>,
        tpu.vector_store %arg7[%swap3A, %swap3A_70], %convert_element_type3A_67 {strides = array<i32>} : memref<200x128xi32, #tpu.memory_space<vmem>>, vector<16xi32>,
      }
      %scan3A_57 = arith.constant 200 : i32
    }
    %scan3A_9 = arith.constant 8 : i32
    %eq3A_10 = arith.constant 0 : i32
    %eq3A_11 = arith.cmpi eq, %arg1, %eq3A_10 : i32
    %convert_element_type3A_12 = arith.extui %eq3A_11 : i1 to i32
    %cond3A_13 = arith.constant 0 : i32
    %cond3A_14 = arith.cmpi ne, %convert_element_type3A_12, %cond3A_13 : i32
    scf.if %cond3A_14 {
      tpu.wait_dma2 semaphore(%arg12 : memref<!tpu.dma_semaphore, #tpu.memory_space<semaphore_mem>>) src(%arg3 : memref<1000x128xf32, #tpu.memory_space<hbm>>) dst(%arg11 : memref<1000x128xf32, #tpu.memory_space<vmem_shared>>)
    } else {
    }
    %barrier3A = arith.constant 0 : index
    tpu.barrier barrier_id(%barrier3A)
    %dma_start3A = arith.constant 0 : i32
    %dma_start3A_15 = arith.constant 0 : i32
    %dma_start3A_16 = tpu.memref_slice %arg7[%dma_start3A, %dma_start3A_15] : memref<200x128xi32, #tpu.memory_space<vmem>> -> memref<1x128xi32, #tpu.memory_space<vmem>>
    %dma_start3A_17 = tpu.memref_squeeze %dma_start3A_16 : memref<1x128xi32, #tpu.memory_space<vmem>> -> memref<128xi32, #tpu.memory_space<vmem>>
    %dma_start3A_18 = arith.constant 0 : i32
    %dma_start3A_19 = arith.constant 0 : i32
    %dma_start3A_20 = tpu.memref_slice %arg11[%dma_start3A_18, %dma_start3A_19] : memref<1000x128xf32, #tpu.memory_space<vmem_shared>> -> memref<1000x128xf32, #tpu.memory_space<vmem_shared>>
    tpu.enqueue_indirect_dma source(%dma_start3A_20 : memref<1000x128xf32, #tpu.memory_space<vmem_shared>>) target(%arg9 : memref<128x128xf32, #tpu.memory_space<vmem>>) offsets(%dma_start3A_17 : memref<128xi32, #tpu.memory_space<vmem>>) semaphore(%arg12 : memref<!tpu.dma_semaphore, #tpu.memory_space<semaphore_mem>>)
    %scan3A_21 = arith.constant 0 : i32
    %scan3A_22 = arith.constant 0 : i32
    %scan3A_23 = arith.constant 100 : i32
    %scan3A_24 = arith.addi %scan3A_22, %scan3A_23 : i32
    %scan3A_25 = arith.constant 1 : i32
    scf.for %scan3A_41 = %scan3A_22 to %scan3A_24 step %scan3A_25  : i32 {
      %mul3A_42 = arith.constant 2 : i32
      %mul3A_43 = arith.muli %mul3A_42, %scan3A_41 : i32
      %add3A_44 = arith.constant 1 : i32
      %add3A_45 = arith.addi %mul3A_43, %add3A_44 : i32
      %dma_wait3A_46 = arith.constant 0 : i32
      %dma_wait3A_47 = tpu.memref_slice %arg7[%mul3A_43, %dma_wait3A_46] : memref<200x128xi32, #tpu.memory_space<vmem>> -> memref<1x128xi32, #tpu.memory_space<vmem>>
      %dma_wait3A_48 = tpu.memref_squeeze %dma_wait3A_47 : memref<1x128xi32, #tpu.memory_space<vmem>> -> memref<128xi32, #tpu.memory_space<vmem>>
      %dma_wait3A_49 = arith.constant 0 : i32
      %dma_wait3A_50 = arith.constant 0 : i32
      %dma_wait3A_51 = tpu.memref_slice %arg11[%dma_wait3A_49, %dma_wait3A_50] : memref<1000x128xf32, #tpu.memory_space<vmem_shared>> -> memref<1000x128xf32, #tpu.memory_space<vmem_shared>>
      tpu.wait_indirect_dma semaphore(%arg12 : memref<!tpu.dma_semaphore, #tpu.memory_space<semaphore_mem>>) src(%dma_wait3A_51 : memref<1000x128xf32, #tpu.memory_space<vmem_shared>>) dst(%arg9 : memref<128x128xf32, #tpu.memory_space<vmem>>)
      %ge3A = arith.constant 1 : i32
      %ge3A_52 = arith.cmpi sge, %scan3A_41, %ge3A : i32
      %convert_element_type3A_53 = arith.extui %ge3A_52 : i1 to i32
      %cond3A_54 = arith.constant 0 : i32
      %cond3A_55 = arith.cmpi ne, %convert_element_type3A_53, %cond3A_54 : i32
      scf.if %cond3A_55 {
        %dma_wait3A_166 = arith.constant 0 : i32
        %dma_wait3A_167 = arith.constant 0 : i32
        %dma_wait3A_168 = tpu.memref_slice %arg5[%mul3A_2, %dma_wait3A_166, %dma_wait3A_167] : memref<4096x200x128xf32, #tpu.memory_space<hbm>> -> memref<128x200x128xf32, #tpu.memory_space<hbm>>
        %dma_wait3A_169 = arith.constant 0 : i32
        %dma_wait3A_170 = arith.constant 0 : i32
        %dma_wait3A_171 = tpu.memref_slice %dma_wait3A_168[%dma_wait3A_169, %add3A_45, %dma_wait3A_170] : memref<128x200x128xf32, #tpu.memory_space<hbm>> -> memref<128x1x128xf32, #tpu.memory_space<hbm>>
        %dma_wait3A_172 = tpu.memref_squeeze %dma_wait3A_171 : memref<128x1x128xf32, #tpu.memory_space<hbm>> -> memref<128x128xf32, #tpu.memory_space<hbm>>
        %dma_wait3A_173 = arith.constant 0 : i32
        %dma_wait3A_174 = arith.constant 0 : i32
        %dma_wait3A_175 = tpu.memref_slice %arg5[%mul3A_2, %dma_wait3A_173, %dma_wait3A_174] : memref<4096x200x128xf32, #tpu.memory_space<hbm>> -> memref<128x200x128xf32, #tpu.memory_space<hbm>>
        %dma_wait3A_176 = arith.constant 0 : i32
        %dma_wait3A_177 = arith.constant 0 : i32
        %dma_wait3A_178 = tpu.memref_slice %dma_wait3A_175[%dma_wait3A_176, %add3A_45, %dma_wait3A_177] : memref<128x200x128xf32, #tpu.memory_space<hbm>> -> memref<128x1x128xf32, #tpu.memory_space<hbm>>
        %dma_wait3A_179 = tpu.memref_squeeze %dma_wait3A_178 : memref<128x1x128xf32, #tpu.memory_space<hbm>> -> memref<128x128xf32, #tpu.memory_space<hbm>>
        tpu.wait_dma2 semaphore(%arg15 : memref<!tpu.dma_semaphore, #tpu.memory_space<semaphore_mem>>) src(%arg10 : memref<128x128xf32, #tpu.memory_space<vmem>>) dst(%dma_wait3A_179 : memref<128x128xf32, #tpu.memory_space<hbm>>)
      } else {
      }
      %dma_start3A_56 = arith.constant 0 : i32
      %dma_start3A_57 = tpu.memref_slice %arg7[%add3A_45, %dma_start3A_56] : memref<200x128xi32, #tpu.memory_space<vmem>> -> memref<1x128xi32, #tpu.memory_space<vmem>>
      %dma_start3A_58 = tpu.memref_squeeze %dma_start3A_57 : memref<1x128xi32, #tpu.memory_space<vmem>> -> memref<128xi32, #tpu.memory_space<vmem>>
      %dma_start3A_59 = arith.constant 0 : i32
      %dma_start3A_60 = arith.constant 0 : i32
      %dma_start3A_61 = tpu.memref_slice %arg11[%dma_start3A_59, %dma_start3A_60] : memref<1000x128xf32, #tpu.memory_space<vmem_shared>> -> memref<1000x128xf32, #tpu.memory_space<vmem_shared>>
      tpu.enqueue_indirect_dma source(%dma_start3A_61 : memref<1000x128xf32, #tpu.memory_space<vmem_shared>>) target(%arg10 : memref<128x128xf32, #tpu.memory_space<vmem>>) offsets(%dma_start3A_58 : memref<128xi32, #tpu.memory_space<vmem>>) semaphore(%arg13 : memref<!tpu.dma_semaphore, #tpu.memory_space<semaphore_mem>>)
      %get3A = arith.index_cast %mul3A_43 : i32 to index
      %get3A_62 = arith.constant 0 : index
      %get3A_63 = tpu.vector_load %arg8[%get3A, %get3A_62] {strides = array<i32>} : memref<200x128xf32, #tpu.memory_space<vmem>>, vector<16xf32>,
      %get3A_64 = arith.index_cast %mul3A_43 : i32 to index
      %get3A_65 = arith.constant 16 : index
      %get3A_66 = tpu.vector_load %arg8[%get3A_64, %get3A_65] {strides = array<i32>} : memref<200x128xf32, #tpu.memory_space<vmem>>, vector<16xf32>,
      %get3A_67 = arith.index_cast %mul3A_43 : i32 to index
      %get3A_68 = arith.constant 32 : index
      %get3A_69 = tpu.vector_load %arg8[%get3A_67, %get3A_68] {strides = array<i32>} : memref<200x128xf32, #tpu.memory_space<vmem>>, vector<16xf32>,
      %get3A_70 = arith.index_cast %mul3A_43 : i32 to index
      %get3A_71 = arith.constant 48 : index
      %get3A_72 = tpu.vector_load %arg8[%get3A_70, %get3A_71] {strides = array<i32>} : memref<200x128xf32, #tpu.memory_space<vmem>>, vector<16xf32>,
      %get3A_73 = arith.index_cast %mul3A_43 : i32 to index
      %get3A_74 = arith.constant 64 : index
      %get3A_75 = tpu.vector_load %arg8[%get3A_73, %get3A_74] {strides = array<i32>} : memref<200x128xf32, #tpu.memory_space<vmem>>, vector<16xf32>,
      %get3A_76 = arith.index_cast %mul3A_43 : i32 to index
      %get3A_77 = arith.constant 80 : index
      %get3A_78 = tpu.vector_load %arg8[%get3A_76, %get3A_77] {strides = array<i32>} : memref<200x128xf32, #tpu.memory_space<vmem>>, vector<16xf32>,
      %get3A_79 = arith.index_cast %mul3A_43 : i32 to index
      %get3A_80 = arith.constant 96 : index
      %get3A_81 = tpu.vector_load %arg8[%get3A_79, %get3A_80] {strides = array<i32>} : memref<200x128xf32, #tpu.memory_space<vmem>>, vector<16xf32>,
      %get3A_82 = arith.index_cast %mul3A_43 : i32 to index
      %get3A_83 = arith.constant 112 : index
      %get3A_84 = tpu.vector_load %arg8[%get3A_82, %get3A_83] {strides = array<i32>} : memref<200x128xf32, #tpu.memory_space<vmem>>, vector<16xf32>,
      %parallel_loop3A = arith.constant 0 : i32
      %parallel_loop3A_85 = arith.constant 128 : i32
      %parallel_loop3A_86 = arith.constant 1 : i32
      scf.for %parallel_loop3A_166 = %parallel_loop3A to %parallel_loop3A_85 step %parallel_loop3A_86  : i32 {
        %parallel_loop3A_167 = arith.index_cast %parallel_loop3A_166 : i32 to index
        %parallel_loop3A_168 = arith.constant 0 : index
        %parallel_loop3A_169 = tpu.vector_load %arg9[%parallel_loop3A_167, %parallel_loop3A_168] {strides = array<i32>} : memref<128x128xf32, #tpu.memory_space<vmem>>, vector<16xf32>,
        %parallel_loop3A_170 = arith.constant 11.3137083 : f32
        %parallel_loop3A_171 = vector.broadcast %parallel_loop3A_170 : f32 to vector<16xf32>
        %parallel_loop3A_172 = arith.mulf %parallel_loop3A_169, %parallel_loop3A_171 : vector<16xf32>
        %parallel_loop3A_173 = arith.addf %parallel_loop3A_172, %get3A_63 : vector<16xf32>
        %parallel_loop3A_174 = arith.index_cast %parallel_loop3A_166 : i32 to index
        %parallel_loop3A_175 = arith.constant 0 : index
        %parallel_loop3A_176 = tpu.vector_load %arg9[%parallel_loop3A_174, %parallel_loop3A_175] {strides = array<i32>} : memref<128x128xf32, #tpu.memory_space<vmem>>, vector<16xf32>,
        tpu.vector_store %arg9[%parallel_loop3A_174, %parallel_loop3A_175], %parallel_loop3A_173 {strides = array<i32>} : memref<128x128xf32, #tpu.memory_space<vmem>>, vector<16xf32>,
        %parallel_loop3A_177 = arith.index_cast %parallel_loop3A_166 : i32 to index
        %parallel_loop3A_178 = arith.constant 16 : index
        %parallel_loop3A_179 = tpu.vector_load %arg9[%parallel_loop3A_177, %parallel_loop3A_178] {strides = array<i32>} : memref<128x128xf32, #tpu.memory_space<vmem>>, vector<16xf32>,
        %parallel_loop3A_180 = arith.constant 11.3137083 : f32
        %parallel_loop3A_181 = vector.broadcast %parallel_loop3A_180 : f32 to vector<16xf32>
        %parallel_loop3A_182 = arith.mulf %parallel_loop3A_179, %parallel_loop3A_181 : vector<16xf32>
        %parallel_loop3A_183 = arith.addf %parallel_loop3A_182, %get3A_66 : vector<16xf32>
        %parallel_loop3A_184 = arith.index_cast %parallel_loop3A_166 : i32 to index
        %parallel_loop3A_185 = arith.constant 16 : index
        %parallel_loop3A_186 = tpu.vector_load %arg9[%parallel_loop3A_184, %parallel_loop3A_185] {strides = array<i32>} : memref<128x128xf32, #tpu.memory_space<vmem>>, vector<16xf32>,
        tpu.vector_store %arg9[%parallel_loop3A_184, %parallel_loop3A_185], %parallel_loop3A_183 {strides = array<i32>} : memref<128x128xf32, #tpu.memory_space<vmem>>, vector<16xf32>,
        %parallel_loop3A_187 = arith.index_cast %parallel_loop3A_166 : i32 to index
        %parallel_loop3A_188 = arith.constant 32 : index
        %parallel_loop3A_189 = tpu.vector_load %arg9[%parallel_loop3A_187, %parallel_loop3A_188] {strides = array<i32>} : memref<128x128xf32, #tpu.memory_space<vmem>>, vector<16xf32>,
        %parallel_loop3A_190 = arith.constant 11.3137083 : f32
        %parallel_loop3A_191 = vector.broadcast %parallel_loop3A_190 : f32 to vector<16xf32>
        %parallel_loop3A_192 = arith.mulf %parallel_loop3A_189, %parallel_loop3A_191 : vector<16xf32>
        %parallel_loop3A_193 = arith.addf %parallel_loop3A_192, %get3A_69 : vector<16xf32>
        %parallel_loop3A_194 = arith.index_cast %parallel_loop3A_166 : i32 to index
        %parallel_loop3A_195 = arith.constant 32 : index
        %parallel_loop3A_196 = tpu.vector_load %arg9[%parallel_loop3A_194, %parallel_loop3A_195] {strides = array<i32>} : memref<128x128xf32, #tpu.memory_space<vmem>>, vector<16xf32>,
        tpu.vector_store %arg9[%parallel_loop3A_194, %parallel_loop3A_195], %parallel_loop3A_193 {strides = array<i32>} : memref<128x128xf32, #tpu.memory_space<vmem>>, vector<16xf32>,
        %parallel_loop3A_197 = arith.index_cast %parallel_loop3A_166 : i32 to index
        %parallel_loop3A_198 = arith.constant 48 : index
        %parallel_loop3A_199 = tpu.vector_load %arg9[%parallel_loop3A_197, %parallel_loop3A_198] {strides = array<i32>} : memref<128x128xf32, #tpu.memory_space<vmem>>, vector<16xf32>,
        %parallel_loop3A_200 = arith.constant 11.3137083 : f32
        %parallel_loop3A_201 = vector.broadcast %parallel_loop3A_200 : f32 to vector<16xf32>
        %parallel_loop3A_202 = arith.mulf %parallel_loop3A_199, %parallel_loop3A_201 : vector<16xf32>
        %parallel_loop3A_203 = arith.addf %parallel_loop3A_202, %get3A_72 : vector<16xf32>
        %parallel_loop3A_204 = arith.index_cast %parallel_loop3A_166 : i32 to index
        %parallel_loop3A_205 = arith.constant 48 : index
        %parallel_loop3A_206 = tpu.vector_load %arg9[%parallel_loop3A_204, %parallel_loop3A_205] {strides = array<i32>} : memref<128x128xf32, #tpu.memory_space<vmem>>, vector<16xf32>,
        tpu.vector_store %arg9[%parallel_loop3A_204, %parallel_loop3A_205], %parallel_loop3A_203 {strides = array<i32>} : memref<128x128xf32, #tpu.memory_space<vmem>>, vector<16xf32>,
        %parallel_loop3A_207 = arith.index_cast %parallel_loop3A_166 : i32 to index
        %parallel_loop3A_208 = arith.constant 64 : index
        %parallel_loop3A_209 = tpu.vector_load %arg9[%parallel_loop3A_207, %parallel_loop3A_208] {strides = array<i32>} : memref<128x128xf32, #tpu.memory_space<vmem>>, vector<16xf32>,
        %parallel_loop3A_210 = arith.constant 11.3137083 : f32
        %parallel_loop3A_211 = vector.broadcast %parallel_loop3A_210 : f32 to vector<16xf32>
        %parallel_loop3A_212 = arith.mulf %parallel_loop3A_209, %parallel_loop3A_211 : vector<16xf32>
        %parallel_loop3A_213 = arith.addf %parallel_loop3A_212, %get3A_75 : vector<16xf32>
        %parallel_loop3A_214 = arith.index_cast %parallel_loop3A_166 : i32 to index
        %parallel_loop3A_215 = arith.constant 64 : index
        %parallel_loop3A_216 = tpu.vector_load %arg9[%parallel_loop3A_214, %parallel_loop3A_215] {strides = array<i32>} : memref<128x128xf32, #tpu.memory_space<vmem>>, vector<16xf32>,
        tpu.vector_store %arg9[%parallel_loop3A_214, %parallel_loop3A_215], %parallel_loop3A_213 {strides = array<i32>} : memref<128x128xf32, #tpu.memory_space<vmem>>, vector<16xf32>,
        %parallel_loop3A_217 = arith.index_cast %parallel_loop3A_166 : i32 to index
        %parallel_loop3A_218 = arith.constant 80 : index
        %parallel_loop3A_219 = tpu.vector_load %arg9[%parallel_loop3A_217, %parallel_loop3A_218] {strides = array<i32>} : memref<128x128xf32, #tpu.memory_space<vmem>>, vector<16xf32>,
        %parallel_loop3A_220 = arith.constant 11.3137083 : f32
        %parallel_loop3A_221 = vector.broadcast %parallel_loop3A_220 : f32 to vector<16xf32>
        %parallel_loop3A_222 = arith.mulf %parallel_loop3A_219, %parallel_loop3A_221 : vector<16xf32>
        %parallel_loop3A_223 = arith.addf %parallel_loop3A_222, %get3A_78 : vector<16xf32>
        %parallel_loop3A_224 = arith.index_cast %parallel_loop3A_166 : i32 to index
        %parallel_loop3A_225 = arith.constant 80 : index
        %parallel_loop3A_226 = tpu.vector_load %arg9[%parallel_loop3A_224, %parallel_loop3A_225] {strides = array<i32>} : memref<128x128xf32, #tpu.memory_space<vmem>>, vector<16xf32>,
        tpu.vector_store %arg9[%parallel_loop3A_224, %parallel_loop3A_225], %parallel_loop3A_223 {strides = array<i32>} : memref<128x128xf32, #tpu.memory_space<vmem>>, vector<16xf32>,
        %parallel_loop3A_227 = arith.index_cast %parallel_loop3A_166 : i32 to index
        %parallel_loop3A_228 = arith.constant 96 : index
        %parallel_loop3A_229 = tpu.vector_load %arg9[%parallel_loop3A_227, %parallel_loop3A_228] {strides = array<i32>} : memref<128x128xf32, #tpu.memory_space<vmem>>, vector<16xf32>,
        %parallel_loop3A_230 = arith.constant 11.3137083 : f32
        %parallel_loop3A_231 = vector.broadcast %parallel_loop3A_230 : f32 to vector<16xf32>
        %parallel_loop3A_232 = arith.mulf %parallel_loop3A_229, %parallel_loop3A_231 : vector<16xf32>
        %parallel_loop3A_233 = arith.addf %parallel_loop3A_232, %get3A_81 : vector<16xf32>
        %parallel_loop3A_234 = arith.index_cast %parallel_loop3A_166 : i32 to index
        %parallel_loop3A_235 = arith.constant 96 : index
        %parallel_loop3A_236 = tpu.vector_load %arg9[%parallel_loop3A_234, %parallel_loop3A_235] {strides = array<i32>} : memref<128x128xf32, #tpu.memory_space<vmem>>, vector<16xf32>,
        tpu.vector_store %arg9[%parallel_loop3A_234, %parallel_loop3A_235], %parallel_loop3A_233 {strides = array<i32>} : memref<128x128xf32, #tpu.memory_space<vmem>>, vector<16xf32>,
        %parallel_loop3A_237 = arith.index_cast %parallel_loop3A_166 : i32 to index
        %parallel_loop3A_238 = arith.constant 112 : index
        %parallel_loop3A_239 = tpu.vector_load %arg9[%parallel_loop3A_237, %parallel_loop3A_238] {strides = array<i32>} : memref<128x128xf32, #tpu.memory_space<vmem>>, vector<16xf32>,
        %parallel_loop3A_240 = arith.constant 11.3137083 : f32
        %parallel_loop3A_241 = vector.broadcast %parallel_loop3A_240 : f32 to vector<16xf32>
        %parallel_loop3A_242 = arith.mulf %parallel_loop3A_239, %parallel_loop3A_241 : vector<16xf32>
        %parallel_loop3A_243 = arith.addf %parallel_loop3A_242, %get3A_84 : vector<16xf32>
        %parallel_loop3A_244 = arith.index_cast %parallel_loop3A_166 : i32 to index
        %parallel_loop3A_245 = arith.constant 112 : index
        %parallel_loop3A_246 = tpu.vector_load %arg9[%parallel_loop3A_244, %parallel_loop3A_245] {strides = array<i32>} : memref<128x128xf32, #tpu.memory_space<vmem>>, vector<16xf32>,
        tpu.vector_store %arg9[%parallel_loop3A_244, %parallel_loop3A_245], %parallel_loop3A_243 {strides = array<i32>} : memref<128x128xf32, #tpu.memory_space<vmem>>, vector<16xf32>,
      } {sc.loop_unroll_factor = 8 : i64, sc.parallel_access}
      %dma_start3A_87 = arith.constant 0 : i32
      %dma_start3A_88 = arith.constant 0 : i32
      %dma_start3A_89 = tpu.memref_slice %arg5[%mul3A_2, %dma_start3A_87, %dma_start3A_88] : memref<4096x200x128xf32, #tpu.memory_space<hbm>> -> memref<128x200x128xf32, #tpu.memory_space<hbm>>
      %dma_start3A_90 = arith.constant 0 : i32
      %dma_start3A_91 = arith.constant 0 : i32
      %dma_start3A_92 = tpu.memref_slice %dma_start3A_89[%dma_start3A_90, %mul3A_43, %dma_start3A_91] : memref<128x200x128xf32, #tpu.memory_space<hbm>> -> memref<128x1x128xf32, #tpu.memory_space<hbm>>
      %dma_start3A_93 = tpu.memref_squeeze %dma_start3A_92 : memref<128x1x128xf32, #tpu.memory_space<hbm>> -> memref<128x128xf32, #tpu.memory_space<hbm>>
      %dma_start3A_94 = arith.constant 0 : i32
      %dma_start3A_95 = arith.constant 0 : i32
      %dma_start3A_96 = tpu.memref_slice %arg5[%mul3A_2, %dma_start3A_94, %dma_start3A_95] : memref<4096x200x128xf32, #tpu.memory_space<hbm>> -> memref<128x200x128xf32, #tpu.memory_space<hbm>>
      %dma_start3A_97 = arith.constant 0 : i32
      %dma_start3A_98 = arith.constant 0 : i32
      %dma_start3A_99 = tpu.memref_slice %dma_start3A_96[%dma_start3A_97, %mul3A_43, %dma_start3A_98] : memref<128x200x128xf32, #tpu.memory_space<hbm>> -> memref<128x1x128xf32, #tpu.memory_space<hbm>>
      %dma_start3A_100 = tpu.memref_squeeze %dma_start3A_99 : memref<128x1x128xf32, #tpu.memory_space<hbm>> -> memref<128x128xf32, #tpu.memory_space<hbm>>
      tpu.enqueue_dma source(%arg9 : memref<128x128xf32, #tpu.memory_space<vmem>>) target(%dma_start3A_100 : memref<128x128xf32, #tpu.memory_space<hbm>>) target_semaphore(%arg14 : memref<!tpu.dma_semaphore, #tpu.memory_space<semaphore_mem>>)
      %dma_wait3A_101 = arith.constant 0 : i32
      %dma_wait3A_102 = tpu.memref_slice %arg7[%add3A_45, %dma_wait3A_101] : memref<200x128xi32, #tpu.memory_space<vmem>> -> memref<1x128xi32, #tpu.memory_space<vmem>>
      %dma_wait3A_103 = tpu.memref_squeeze %dma_wait3A_102 : memref<1x128xi32, #tpu.memory_space<vmem>> -> memref<128xi32, #tpu.memory_space<vmem>>
      %dma_wait3A_104 = arith.constant 0 : i32
      %dma_wait3A_105 = arith.constant 0 : i32
      %dma_wait3A_106 = tpu.memref_slice %arg11[%dma_wait3A_104, %dma_wait3A_105] : memref<1000x128xf32, #tpu.memory_space<vmem_shared>> -> memref<1000x128xf32, #tpu.memory_space<vmem_shared>>
      tpu.wait_indirect_dma semaphore(%arg13 : memref<!tpu.dma_semaphore, #tpu.memory_space<semaphore_mem>>) src(%dma_wait3A_106 : memref<1000x128xf32, #tpu.memory_space<vmem_shared>>) dst(%arg10 : memref<128x128xf32, #tpu.memory_space<vmem>>)
      %get3A_107 = arith.index_cast %add3A_45 : i32 to index
      %get3A_108 = arith.constant 0 : index
      %get3A_109 = tpu.vector_load %arg8[%get3A_107, %get3A_108] {strides = array<i32>} : memref<200x128xf32, #tpu.memory_space<vmem>>, vector<16xf32>,
      %get3A_110 = arith.index_cast %add3A_45 : i32 to index
      %get3A_111 = arith.constant 16 : index
      %get3A_112 = tpu.vector_load %arg8[%get3A_110, %get3A_111] {strides = array<i32>} : memref<200x128xf32, #tpu.memory_space<vmem>>, vector<16xf32>,
      %get3A_113 = arith.index_cast %add3A_45 : i32 to index
      %get3A_114 = arith.constant 32 : index
      %get3A_115 = tpu.vector_load %arg8[%get3A_113, %get3A_114] {strides = array<i32>} : memref<200x128xf32, #tpu.memory_space<vmem>>, vector<16xf32>,
      %get3A_116 = arith.index_cast %add3A_45 : i32 to index
      %get3A_117 = arith.constant 48 : index
      %get3A_118 = tpu.vector_load %arg8[%get3A_116, %get3A_117] {strides = array<i32>} : memref<200x128xf32, #tpu.memory_space<vmem>>, vector<16xf32>,
      %get3A_119 = arith.index_cast %add3A_45 : i32 to index
      %get3A_120 = arith.constant 64 : index
      %get3A_121 = tpu.vector_load %arg8[%get3A_119, %get3A_120] {strides = array<i32>} : memref<200x128xf32, #tpu.memory_space<vmem>>, vector<16xf32>,
      %get3A_122 = arith.index_cast %add3A_45 : i32 to index
      %get3A_123 = arith.constant 80 : index
      %get3A_124 = tpu.vector_load %arg8[%get3A_122, %get3A_123] {strides = array<i32>} : memref<200x128xf32, #tpu.memory_space<vmem>>, vector<16xf32>,
      %get3A_125 = arith.index_cast %add3A_45 : i32 to index
      %get3A_126 = arith.constant 96 : index
      %get3A_127 = tpu.vector_load %arg8[%get3A_125, %get3A_126] {strides = array<i32>} : memref<200x128xf32, #tpu.memory_space<vmem>>, vector<16xf32>,
      %get3A_128 = arith.index_cast %add3A_45 : i32 to index
      %get3A_129 = arith.constant 112 : index
      %get3A_130 = tpu.vector_load %arg8[%get3A_128, %get3A_129] {strides = array<i32>} : memref<200x128xf32, #tpu.memory_space<vmem>>, vector<16xf32>,
      %parallel_loop3A_131 = arith.constant 0 : i32
      %parallel_loop3A_132 = arith.constant 128 : i32
      %parallel_loop3A_133 = arith.constant 1 : i32
      scf.for %parallel_loop3A_166 = %parallel_loop3A_131 to %parallel_loop3A_132 step %parallel_loop3A_133  : i32 {
        %parallel_loop3A_167 = arith.index_cast %parallel_loop3A_166 : i32 to index
        %parallel_loop3A_168 = arith.constant 0 : index
        %parallel_loop3A_169 = tpu.vector_load %arg10[%parallel_loop3A_167, %parallel_loop3A_168] {strides = array<i32>} : memref<128x128xf32, #tpu.memory_space<vmem>>, vector<16xf32>,
        %parallel_loop3A_170 = arith.constant 11.3137083 : f32
        %parallel_loop3A_171 = vector.broadcast %parallel_loop3A_170 : f32 to vector<16xf32>
        %parallel_loop3A_172 = arith.mulf %parallel_loop3A_169, %parallel_loop3A_171 : vector<16xf32>
        %parallel_loop3A_173 = arith.addf %parallel_loop3A_172, %get3A_109 : vector<16xf32>
        %parallel_loop3A_174 = arith.index_cast %parallel_loop3A_166 : i32 to index
        %parallel_loop3A_175 = arith.constant 0 : index
        %parallel_loop3A_176 = tpu.vector_load %arg10[%parallel_loop3A_174, %parallel_loop3A_175] {strides = array<i32>} : memref<128x128xf32, #tpu.memory_space<vmem>>, vector<16xf32>,
        tpu.vector_store %arg10[%parallel_loop3A_174, %parallel_loop3A_175], %parallel_loop3A_173 {strides = array<i32>} : memref<128x128xf32, #tpu.memory_space<vmem>>, vector<16xf32>,
        %parallel_loop3A_177 = arith.index_cast %parallel_loop3A_166 : i32 to index
        %parallel_loop3A_178 = arith.constant 16 : index
        %parallel_loop3A_179 = tpu.vector_load %arg10[%parallel_loop3A_177, %parallel_loop3A_178] {strides = array<i32>} : memref<128x128xf32, #tpu.memory_space<vmem>>, vector<16xf32>,
        %parallel_loop3A_180 = arith.constant 11.3137083 : f32
        %parallel_loop3A_181 = vector.broadcast %parallel_loop3A_180 : f32 to vector<16xf32>
        %parallel_loop3A_182 = arith.mulf %parallel_loop3A_179, %parallel_loop3A_181 : vector<16xf32>
        %parallel_loop3A_183 = arith.addf %parallel_loop3A_182, %get3A_112 : vector<16xf32>
        %parallel_loop3A_184 = arith.index_cast %parallel_loop3A_166 : i32 to index
        %parallel_loop3A_185 = arith.constant 16 : index
        %parallel_loop3A_186 = tpu.vector_load %arg10[%parallel_loop3A_184, %parallel_loop3A_185] {strides = array<i32>} : memref<128x128xf32, #tpu.memory_space<vmem>>, vector<16xf32>,
        tpu.vector_store %arg10[%parallel_loop3A_184, %parallel_loop3A_185], %parallel_loop3A_183 {strides = array<i32>} : memref<128x128xf32, #tpu.memory_space<vmem>>, vector<16xf32>,
        %parallel_loop3A_187 = arith.index_cast %parallel_loop3A_166 : i32 to index
        %parallel_loop3A_188 = arith.constant 32 : index
        %parallel_loop3A_189 = tpu.vector_load %arg10[%parallel_loop3A_187, %parallel_loop3A_188] {strides = array<i32>} : memref<128x128xf32, #tpu.memory_space<vmem>>, vector<16xf32>,
        %parallel_loop3A_190 = arith.constant 11.3137083 : f32
        %parallel_loop3A_191 = vector.broadcast %parallel_loop3A_190 : f32 to vector<16xf32>
        %parallel_loop3A_192 = arith.mulf %parallel_loop3A_189, %parallel_loop3A_191 : vector<16xf32>
        %parallel_loop3A_193 = arith.addf %parallel_loop3A_192, %get3A_115 : vector<16xf32>
        %parallel_loop3A_194 = arith.index_cast %parallel_loop3A_166 : i32 to index
        %parallel_loop3A_195 = arith.constant 32 : index
        %parallel_loop3A_196 = tpu.vector_load %arg10[%parallel_loop3A_194, %parallel_loop3A_195] {strides = array<i32>} : memref<128x128xf32, #tpu.memory_space<vmem>>, vector<16xf32>,
        tpu.vector_store %arg10[%parallel_loop3A_194, %parallel_loop3A_195], %parallel_loop3A_193 {strides = array<i32>} : memref<128x128xf32, #tpu.memory_space<vmem>>, vector<16xf32>,
        %parallel_loop3A_197 = arith.index_cast %parallel_loop3A_166 : i32 to index
        %parallel_loop3A_198 = arith.constant 48 : index
        %parallel_loop3A_199 = tpu.vector_load %arg10[%parallel_loop3A_197, %parallel_loop3A_198] {strides = array<i32>} : memref<128x128xf32, #tpu.memory_space<vmem>>, vector<16xf32>,
        %parallel_loop3A_200 = arith.constant 11.3137083 : f32
        %parallel_loop3A_201 = vector.broadcast %parallel_loop3A_200 : f32 to vector<16xf32>
        %parallel_loop3A_202 = arith.mulf %parallel_loop3A_199, %parallel_loop3A_201 : vector<16xf32>
        %parallel_loop3A_203 = arith.addf %parallel_loop3A_202, %get3A_118 : vector<16xf32>
        %parallel_loop3A_204 = arith.index_cast %parallel_loop3A_166 : i32 to index
        %parallel_loop3A_205 = arith.constant 48 : index
        %parallel_loop3A_206 = tpu.vector_load %arg10[%parallel_loop3A_204, %parallel_loop3A_205] {strides = array<i32>} : memref<128x128xf32, #tpu.memory_space<vmem>>, vector<16xf32>,
        tpu.vector_store %arg10[%parallel_loop3A_204, %parallel_loop3A_205], %parallel_loop3A_203 {strides = array<i32>} : memref<128x128xf32, #tpu.memory_space<vmem>>, vector<16xf32>,
        %parallel_loop3A_207 = arith.index_cast %parallel_loop3A_166 : i32 to index
        %parallel_loop3A_208 = arith.constant 64 : index
        %parallel_loop3A_209 = tpu.vector_load %arg10[%parallel_loop3A_207, %parallel_loop3A_208] {strides = array<i32>} : memref<128x128xf32, #tpu.memory_space<vmem>>, vector<16xf32>,
        %parallel_loop3A_210 = arith.constant 11.3137083 : f32
        %parallel_loop3A_211 = vector.broadcast %parallel_loop3A_210 : f32 to vector<16xf32>
        %parallel_loop3A_212 = arith.mulf %parallel_loop3A_209, %parallel_loop3A_211 : vector<16xf32>
        %parallel_loop3A_213 = arith.addf %parallel_loop3A_212, %get3A_121 : vector<16xf32>
        %parallel_loop3A_214 = arith.index_cast %parallel_loop3A_166 : i32 to index
        %parallel_loop3A_215 = arith.constant 64 : index
        %parallel_loop3A_216 = tpu.vector_load %arg10[%parallel_loop3A_214, %parallel_loop3A_215] {strides = array<i32>} : memref<128x128xf32, #tpu.memory_space<vmem>>, vector<16xf32>,
        tpu.vector_store %arg10[%parallel_loop3A_214, %parallel_loop3A_215], %parallel_loop3A_213 {strides = array<i32>} : memref<128x128xf32, #tpu.memory_space<vmem>>, vector<16xf32>,
        %parallel_loop3A_217 = arith.index_cast %parallel_loop3A_166 : i32 to index
        %parallel_loop3A_218 = arith.constant 80 : index
        %parallel_loop3A_219 = tpu.vector_load %arg10[%parallel_loop3A_217, %parallel_loop3A_218] {strides = array<i32>} : memref<128x128xf32, #tpu.memory_space<vmem>>, vector<16xf32>,
        %parallel_loop3A_220 = arith.constant 11.3137083 : f32
        %parallel_loop3A_221 = vector.broadcast %parallel_loop3A_220 : f32 to vector<16xf32>
        %parallel_loop3A_222 = arith.mulf %parallel_loop3A_219, %parallel_loop3A_221 : vector<16xf32>
        %parallel_loop3A_223 = arith.addf %parallel_loop3A_222, %get3A_124 : vector<16xf32>
        %parallel_loop3A_224 = arith.index_cast %parallel_loop3A_166 : i32 to index
        %parallel_loop3A_225 = arith.constant 80 : index
        %parallel_loop3A_226 = tpu.vector_load %arg10[%parallel_loop3A_224, %parallel_loop3A_225] {strides = array<i32>} : memref<128x128xf32, #tpu.memory_space<vmem>>, vector<16xf32>,
        tpu.vector_store %arg10[%parallel_loop3A_224, %parallel_loop3A_225], %parallel_loop3A_223 {strides = array<i32>} : memref<128x128xf32, #tpu.memory_space<vmem>>, vector<16xf32>,
        %parallel_loop3A_227 = arith.index_cast %parallel_loop3A_166 : i32 to index
        %parallel_loop3A_228 = arith.constant 96 : index
        %parallel_loop3A_229 = tpu.vector_load %arg10[%parallel_loop3A_227, %parallel_loop3A_228] {strides = array<i32>} : memref<128x128xf32, #tpu.memory_space<vmem>>, vector<16xf32>,
        %parallel_loop3A_230 = arith.constant 11.3137083 : f32
        %parallel_loop3A_231 = vector.broadcast %parallel_loop3A_230 : f32 to vector<16xf32>
        %parallel_loop3A_232 = arith.mulf %parallel_loop3A_229, %parallel_loop3A_231 : vector<16xf32>
        %parallel_loop3A_233 = arith.addf %parallel_loop3A_232, %get3A_127 : vector<16xf32>
        %parallel_loop3A_234 = arith.index_cast %parallel_loop3A_166 : i32 to index
        %parallel_loop3A_235 = arith.constant 96 : index
        %parallel_loop3A_236 = tpu.vector_load %arg10[%parallel_loop3A_234, %parallel_loop3A_235] {strides = array<i32>} : memref<128x128xf32, #tpu.memory_space<vmem>>, vector<16xf32>,
        tpu.vector_store %arg10[%parallel_loop3A_234, %parallel_loop3A_235], %parallel_loop3A_233 {strides = array<i32>} : memref<128x128xf32, #tpu.memory_space<vmem>>, vector<16xf32>,
        %parallel_loop3A_237 = arith.index_cast %parallel_loop3A_166 : i32 to index
        %parallel_loop3A_238 = arith.constant 112 : index
        %parallel_loop3A_239 = tpu.vector_load %arg10[%parallel_loop3A_237, %parallel_loop3A_238] {strides = array<i32>} : memref<128x128xf32, #tpu.memory_space<vmem>>, vector<16xf32>,
        %parallel_loop3A_240 = arith.constant 11.3137083 : f32
        %parallel_loop3A_241 = vector.broadcast %parallel_loop3A_240 : f32 to vector<16xf32>
        %parallel_loop3A_242 = arith.mulf %parallel_loop3A_239, %parallel_loop3A_241 : vector<16xf32>
        %parallel_loop3A_243 = arith.addf %parallel_loop3A_242, %get3A_130 : vector<16xf32>
        %parallel_loop3A_244 = arith.index_cast %parallel_loop3A_166 : i32 to index
        %parallel_loop3A_245 = arith.constant 112 : index
        %parallel_loop3A_246 = tpu.vector_load %arg10[%parallel_loop3A_244, %parallel_loop3A_245] {strides = array<i32>} : memref<128x128xf32, #tpu.memory_space<vmem>>, vector<16xf32>,
        tpu.vector_store %arg10[%parallel_loop3A_244, %parallel_loop3A_245], %parallel_loop3A_243 {strides = array<i32>} : memref<128x128xf32, #tpu.memory_space<vmem>>, vector<16xf32>,
      } {sc.loop_unroll_factor = 8 : i64, sc.parallel_access}
      %dma_start3A_134 = arith.constant 0 : i32
      %dma_start3A_135 = arith.constant 0 : i32
      %dma_start3A_136 = tpu.memref_slice %arg5[%mul3A_2, %dma_start3A_134, %dma_start3A_135] : memref<4096x200x128xf32, #tpu.memory_space<hbm>> -> memref<128x200x128xf32, #tpu.memory_space<hbm>>
      %dma_start3A_137 = arith.constant 0 : i32
      %dma_start3A_138 = arith.constant 0 : i32
      %dma_start3A_139 = tpu.memref_slice %dma_start3A_136[%dma_start3A_137, %add3A_45, %dma_start3A_138] : memref<128x200x128xf32, #tpu.memory_space<hbm>> -> memref<128x1x128xf32, #tpu.memory_space<hbm>>
      %dma_start3A_140 = tpu.memref_squeeze %dma_start3A_139 : memref<128x1x128xf32, #tpu.memory_space<hbm>> -> memref<128x128xf32, #tpu.memory_space<hbm>>
      %dma_start3A_141 = arith.constant 0 : i32
      %dma_start3A_142 = arith.constant 0 : i32
      %dma_start3A_143 = tpu.memref_slice %arg5[%mul3A_2, %dma_start3A_141, %dma_start3A_142] : memref<4096x200x128xf32, #tpu.memory_space<hbm>> -> memref<128x200x128xf32, #tpu.memory_space<hbm>>
      %dma_start3A_144 = arith.constant 0 : i32
      %dma_start3A_145 = arith.constant 0 : i32
      %dma_start3A_146 = tpu.memref_slice %dma_start3A_143[%dma_start3A_144, %add3A_45, %dma_start3A_145] : memref<128x200x128xf32, #tpu.memory_space<hbm>> -> memref<128x1x128xf32, #tpu.memory_space<hbm>>
      %dma_start3A_147 = tpu.memref_squeeze %dma_start3A_146 : memref<128x1x128xf32, #tpu.memory_space<hbm>> -> memref<128x128xf32, #tpu.memory_space<hbm>>
      tpu.enqueue_dma source(%arg10 : memref<128x128xf32, #tpu.memory_space<vmem>>) target(%dma_start3A_147 : memref<128x128xf32, #tpu.memory_space<hbm>>) target_semaphore(%arg15 : memref<!tpu.dma_semaphore, #tpu.memory_space<semaphore_mem>>)
      %dma_wait3A_148 = arith.constant 0 : i32
      %dma_wait3A_149 = arith.constant 0 : i32
      %dma_wait3A_150 = tpu.memref_slice %arg5[%mul3A_2, %dma_wait3A_148, %dma_wait3A_149] : memref<4096x200x128xf32, #tpu.memory_space<hbm>> -> memref<128x200x128xf32, #tpu.memory_space<hbm>>
      %dma_wait3A_151 = arith.constant 0 : i32
      %dma_wait3A_152 = arith.constant 0 : i32
      %dma_wait3A_153 = tpu.memref_slice %dma_wait3A_150[%dma_wait3A_151, %mul3A_43, %dma_wait3A_152] : memref<128x200x128xf32, #tpu.memory_space<hbm>> -> memref<128x1x128xf32, #tpu.memory_space<hbm>>
      %dma_wait3A_154 = tpu.memref_squeeze %dma_wait3A_153 : memref<128x1x128xf32, #tpu.memory_space<hbm>> -> memref<128x128xf32, #tpu.memory_space<hbm>>
      %dma_wait3A_155 = arith.constant 0 : i32
      %dma_wait3A_156 = arith.constant 0 : i32
      %dma_wait3A_157 = tpu.memref_slice %arg5[%mul3A_2, %dma_wait3A_155, %dma_wait3A_156] : memref<4096x200x128xf32, #tpu.memory_space<hbm>> -> memref<128x200x128xf32, #tpu.memory_space<hbm>>
      %dma_wait3A_158 = arith.constant 0 : i32
      %dma_wait3A_159 = arith.constant 0 : i32
      %dma_wait3A_160 = tpu.memref_slice %dma_wait3A_157[%dma_wait3A_158, %mul3A_43, %dma_wait3A_159] : memref<128x200x128xf32, #tpu.memory_space<hbm>> -> memref<128x1x128xf32, #tpu.memory_space<hbm>>
      %dma_wait3A_161 = tpu.memref_squeeze %dma_wait3A_160 : memref<128x1x128xf32, #tpu.memory_space<hbm>> -> memref<128x128xf32, #tpu.memory_space<hbm>>
      tpu.wait_dma2 semaphore(%arg14 : memref<!tpu.dma_semaphore, #tpu.memory_space<semaphore_mem>>) src(%arg9 : memref<128x128xf32, #tpu.memory_space<vmem>>) dst(%dma_wait3A_161 : memref<128x128xf32, #tpu.memory_space<hbm>>)
      %lt3A = arith.constant 99 : i32
      %lt3A_162 = arith.cmpi slt, %scan3A_41, %lt3A : i32
      %convert_element_type3A_163 = arith.extui %lt3A_162 : i1 to i32
      %cond3A_164 = arith.constant 0 : i32
      %cond3A_165 = arith.cmpi ne, %convert_element_type3A_163, %cond3A_164 : i32
      scf.if %cond3A_165 {
        %add3A_166 = arith.constant 2 : i32
        %add3A_167 = arith.addi %mul3A_43, %add3A_166 : i32
        %dma_start3A_168 = arith.constant 0 : i32
        %dma_start3A_169 = tpu.memref_slice %arg7[%add3A_167, %dma_start3A_168] : memref<200x128xi32, #tpu.memory_space<vmem>> -> memref<1x128xi32, #tpu.memory_space<vmem>>
        %dma_start3A_170 = tpu.memref_squeeze %dma_start3A_169 : memref<1x128xi32, #tpu.memory_space<vmem>> -> memref<128xi32, #tpu.memory_space<vmem>>
        %dma_start3A_171 = arith.constant 0 : i32
        %dma_start3A_172 = arith.constant 0 : i32
        %dma_start3A_173 = tpu.memref_slice %arg11[%dma_start3A_171, %dma_start3A_172] : memref<1000x128xf32, #tpu.memory_space<vmem_shared>> -> memref<1000x128xf32, #tpu.memory_space<vmem_shared>>
        tpu.enqueue_indirect_dma source(%dma_start3A_173 : memref<1000x128xf32, #tpu.memory_space<vmem_shared>>) target(%arg9 : memref<128x128xf32, #tpu.memory_space<vmem>>) offsets(%dma_start3A_170 : memref<128xi32, #tpu.memory_space<vmem>>) semaphore(%arg12 : memref<!tpu.dma_semaphore, #tpu.memory_space<semaphore_mem>>)
      } else {
      }
    }
    %scan3A_26 = arith.constant 100 : i32
    %dma_wait3A = arith.constant 199 : i32
    %dma_wait3A_27 = arith.constant 0 : i32
    %dma_wait3A_28 = arith.constant 0 : i32
    %dma_wait3A_29 = tpu.memref_slice %arg5[%mul3A_2, %dma_wait3A_27, %dma_wait3A_28] : memref<4096x200x128xf32, #tpu.memory_space<hbm>> -> memref<128x200x128xf32, #tpu.memory_space<hbm>>
    %dma_wait3A_30 = arith.constant 0 : i32
    %dma_wait3A_31 = arith.constant 0 : i32
    %dma_wait3A_32 = tpu.memref_slice %dma_wait3A_29[%dma_wait3A_30, %dma_wait3A, %dma_wait3A_31] : memref<128x200x128xf32, #tpu.memory_space<hbm>> -> memref<128x1x128xf32, #tpu.memory_space<hbm>>
    %dma_wait3A_33 = tpu.memref_squeeze %dma_wait3A_32 : memref<128x1x128xf32, #tpu.memory_space<hbm>> -> memref<128x128xf32, #tpu.memory_space<hbm>>
    %dma_wait3A_34 = arith.constant 0 : i32
    %dma_wait3A_35 = arith.constant 0 : i32
    %dma_wait3A_36 = tpu.memref_slice %arg5[%mul3A_2, %dma_wait3A_34, %dma_wait3A_35] : memref<4096x200x128xf32, #tpu.memory_space<hbm>> -> memref<128x200x128xf32, #tpu.memory_space<hbm>>
    %dma_wait3A_37 = arith.constant 0 : i32
    %dma_wait3A_38 = arith.constant 0 : i32
    %dma_wait3A_39 = tpu.memref_slice %dma_wait3A_36[%dma_wait3A_37, %dma_wait3A, %dma_wait3A_38] : memref<128x200x128xf32, #tpu.memory_space<hbm>> -> memref<128x1x128xf32, #tpu.memory_space<hbm>>
    %dma_wait3A_40 = tpu.memref_squeeze %dma_wait3A_39 : memref<128x1x128xf32, #tpu.memory_space<hbm>> -> memref<128x128xf32, #tpu.memory_space<hbm>>
    tpu.wait_dma2 semaphore(%arg15 : memref<!tpu.dma_semaphore, #tpu.memory_space<semaphore_mem>>) src(%arg10 : memref<128x128xf32, #tpu.memory_space<vmem>>) dst(%dma_wait3A_40 : memref<128x128xf32, #tpu.memory_space<hbm>>)
    return
  }
}

</mosaic_0001>

<sc_bundles>
// kernel: kernel.3.cloned.1.call-start
scs
__scs_entry_jumppad:
0x0: {  	(pc) =	sbr.rel $0x88, $3  }
0x1: {  	(tag) =	ssettag $0x0;
	lr =	simm.s32 $0x1  }
0x2: {  	[smem:$0x3F9E] =	sst lr;
	_ =	strace $0xD0000000  }
0x3: {  	_ = 	snop  }
0x4: {  	_ = 	snop  }
0x5: {  	_ = 	snop  }
0x6: {  	_ = 	snop  }
0x7: {  	_ = 	snop  }
__scs_overlays_trampoline_lowered:
0x8: {  	[smem:$0x3FAD] =	sst s0  }
0x9: {  	[smem:$0x3FAE] =	sst s1  }
0xa: {  	[smem:$0x3FAF] =	sst s2  }
0xb: {  	[smem:$0x3FB0] =	sst s3  }
0xc: {  	[smem:$0x3FB1] =	sst s4  }
0xd: {  	[smem:$0x3FB2] =	sst s5  }
0xe: {  	[smem:$0x3FB3] =	sst s6  }
0xf: {  	[smem:$0x3FB4] =	sst s7  }
0x10: {  	[smem:$0x3FB5] =	sst s8  }
0x11: {  	[smem:$0x3FB6] =	sst s9;
	s0 =	simm.s32 @!p0 $0x0  }
0x12: {  	s1 =	sld [smem:$0x3F9C];
	s0 =	simm.s32 @p0 $0x1  }
0x13: {  	[smem:$0x3FB7] =	sst s0;
	s0 =	simm.s32 @!p1 $0x0  }
0x14: {  	s2 =	sld [smem:$0x3F9B];
	s0 =	simm.s32 @p1 $0x1  }
0x15: {  	[smem:$0x3FB8] =	sst s0;
	s0 =	simm.s32 @!p2 $0x0  }
0x16: {  	s3 =	sld [smem:$0x3FDB];
	s0 =	simm.s32 @p2 $0x1  }
0x17: {  	s4 =	simm.s32 $0x1BF5;
	[smem:$0x3FBA] =	sst s0  }
0x18: {  	s0 =	sld [smem:$0x3F9D];
	_ =	swait.ge [sflag:s4], $0x0  }
0x19: {  	s7 =	sld [smem:$0x3F9E]  }
0x1a: {  	s8 =	sadd.s32 $0xFFFFE003, lr  }
0x1b: {  	s9 =	sadd.s32 $0xFFFFFEF7, lr;
	s5 =	simm.s32 $0xFFFFFFFF;
	p2 =	slt.u32 s8, $0xFFFFF086  }
0x1c: {  	p1 =	slt.u32 s9, $0xF7A;
	s5 =	simm.s32 @!p2 $0x0  }
0x1d: {  	s5 =	simm.s32 @p1 $0x1;
	p0 =	seq.s32 s7, s2  }
0x1e: {  	s7 =	smul.u32 @!p0 $0xF7A, s2;
	p2 =	seq.s32 @!p0 s5, $0x0  }
0x1f: {  	s9 =	smul.u32 $0xF7A, s1;
	s8 =	simm.s32 @!p0 $0x1BF5;
	p2 =	por !p2, p0  }
0x20: {  	[sflag:s8] =	ssyncset.s32 @!p0 $0xFFFFF086;
	s6 =	sadd.s32 @!p0 s3, s7;
	s7 =	simm.s32 @!p0 $0x108  }
0x21: {  	s3 =	sadd.s32 s3, s9;
	s6 =	sadd.s32 @!p0 $0x88, s6;
	s7 =	simm.s32 @p2 $0x1082  }
0x22: {  	[simem:s7], [sflag:s8] =	dma.local @!p0 [hbm:s6], $0xF7A  }
0x23: {  	s9 =	sor.u32 $0xD0000000, s2;
	s6 =	simm.s32 $0x108;
	_ =	swait.ge @!p0 [sflag:s8], $0x0  }
0x24: {  	s3 =	sadd.s32 $0x88, s3;
	s6 =	simm.s32 @!p1 $0x1082;
	[sflag:s4] =	ssyncset.s32 $0xFFFFF086  }
0x25: {  	[simem:s6], [sflag:s4] =	dma.local [hbm:s3], $0xF7A  }
0x26: {  	[smem:$0x3F9E] =	sst s1;
	(tag) =	ssettag s2;
	_ =	strace s9  }
0x27: {  	s1 =	sld [smem:$0x3FAE]  }
0x28: {  	s2 =	sld [smem:$0x3FAF]  }
0x29: {  	s4 =	sld [smem:$0x3FB1]  }
0x2a: {  	p0 =	seq.s32 s5, $0x0;
	s5 =	sld [smem:$0x3FB2]  }
0x2b: {  	s6 =	sld [smem:$0x3FB3]  }
0x2c: {  	s7 =	sld [smem:$0x3FB4]  }
0x2d: {  	s3 =	simm.s32 $0x108;
	s8 =	sld [smem:$0x3FB5]  }
0x2e: {  	s3 =	simm.s32 @!p0 $0x1082;
	s9 =	sld [smem:$0x3FB6]  }
0x2f: {  	lr =	sadd.s32 s0, s3;
	s0 =	sld [smem:$0x3FAD]  }
0x30: {  	s3 =	sld [smem:$0x3FB0]  }
0x31: {  	[smem:$0x3FB9] =	sst s10  }
0x32: {  	s10 =	sld [smem:$0x3FB7];
	_ =	sdelay $0x3  }
0x33: {  	p0 =	seq.s32 s10, $0x1;
	s10 =	sld [smem:$0x3FB9];
	_ =	sdelay $0x3  }
0x34: {  	[smem:$0x3FB9] =	sst s10  }
0x35: {  	s10 =	sld [smem:$0x3FB8];
	_ =	sdelay $0x3  }
0x36: {  	p1 =	seq.s32 s10, $0x1;
	s10 =	sld [smem:$0x3FB9];
	_ =	sdelay $0x3  }
0x37: {  	[smem:$0x3FB9] =	sst s10  }
0x38: {  	s10 =	sld [smem:$0x3FBA]  }
0x39: {  	_ = 	snop;
	(pc) =	sbr.ind lr, $3  }
0x3a: {  	_ = 	snop  }
0x3b: {  	_ = 	snop  }
0x3c: {  	p2 =	seq.s32 s10, $0x1;
	s10 =	sld [smem:$0x3FB9]  }
0x3d: {  	_ =	shalt  }
0x3e: {  	_ =	shalt  }
0x3f: {  	_ =	shalt  }
0x40: {  	_ =	shalt  }
0x41: {  	_ =	shalt  }
0x42: {  	_ =	shalt  }
0x43: {  	_ =	shalt  }
0x44: {  	_ =	shalt  }
0x45: {  	_ =	shalt  }
0x46: {  	_ =	shalt  }
0x47: {  	_ =	shalt  }
0x48: {  	_ =	shalt  }
0x49: {  	_ =	shalt  }
0x4a: {  	_ =	shalt  }
0x4b: {  	_ =	shalt  }
0x4c: {  	_ =	shalt  }
0x4d: {  	_ =	shalt  }
0x4e: {  	_ =	shalt  }
0x4f: {  	_ =	shalt  }
0x50: {  	_ =	shalt  }
0x51: {  	_ =	shalt  }
0x52: {  	_ =	shalt  }
0x53: {  	_ =	shalt  }
0x54: {  	_ =	shalt  }
0x55: {  	_ =	shalt  }
0x56: {  	_ =	shalt  }
0x57: {  	_ =	shalt  }
0x58: {  	_ =	shalt  }
0x59: {  	_ =	shalt  }
0x5a: {  	_ =	shalt  }
0x5b: {  	_ =	shalt  }
0x5c: {  	_ =	shalt  }
0x5d: {  	_ =	shalt  }
0x5e: {  	_ =	shalt  }
0x5f: {  	_ =	shalt  }
0x60: {  	_ =	shalt  }
0x61: {  	_ =	shalt  }
0x62: {  	_ =	shalt  }
0x63: {  	_ =	shalt  }
0x64: {  	_ =	shalt  }
0x65: {  	_ =	shalt  }
0x66: {  	_ =	shalt  }
0x67: {  	_ =	shalt  }
0x68: {  	_ =	shalt  }
0x69: {  	_ =	shalt  }
0x6a: {  	_ =	shalt  }
0x6b: {  	_ =	shalt  }
0x6c: {  	_ =	shalt  }
0x6d: {  	_ =	shalt  }
0x6e: {  	_ =	shalt  }
0x6f: {  	_ =	shalt  }
0x70: {  	_ =	shalt  }
0x71: {  	_ =	shalt  }
0x72: {  	_ =	shalt  }
0x73: {  	_ =	shalt  }
0x74: {  	_ =	shalt  }
0x75: {  	_ =	shalt  }
0x76: {  	_ =	shalt  }
0x77: {  	_ =	shalt  }
0x78: {  	_ =	shalt  }
0x79: {  	_ =	shalt  }
0x7a: {  	_ =	shalt  }
0x7b: {  	_ =	shalt  }
0x7c: {  	_ =	shalt  }
0x7d: {  	_ =	shalt  }
0x7e: {  	_ =	shalt  }
0x7f: {  	_ =	shalt  }
0x80: {  	_ =	shalt  }
0x81: {  	_ =	shalt  }
0x82: {  	_ =	shalt  }
0x83: {  	_ =	shalt  }
0x84: {  	_ =	shalt  }
0x85: {  	_ =	shalt  }
0x86: {  	_ =	shalt  }
0x87: {  	_ =	shalt  }
.Lfunc_end0:
.L_simem_size_0:
called_computation_lowered:
.L_overlay_start_0:
0x88: {  	s2 =	sld [smem:$0x3FD9]  }
0x89: {  	s3 =	sld [smem:$0x3FFE];
	_ =	sdelay $0x1  }
0x8a: {  	s1 =	srdreg.scid  }
0x8b: {  	s0 =	sand.u32 $0x1, s1  }
0x8c: {  	s17 =	sshll.u32 s0, $0xA;
	s2 =	sadd.s32 s3, s2  }
0x8d: {  	s2 =	sadd.s32 s2, s17  }
0x8e: {  	[smem:$0x3FC5] =	sst s2  }
0x8f: {  	_ = 	snop  }
0x90: {  	s2 =	sld [smem:$0x3FC8]  }
0x91: {  	s18 =	sld [smem:$0x3FC7]  }
0x92: {  	s4 =	sld [smem:$0x3FD0];
	(tm) =	ssettm $0x1  }
0x93: {  	s5 =	sld [smem:$0x3FFB];
	_ =	sdelay $0x3  }
0x94: {  	_ =	strace s5  }
0x95: {  	s5 =	sld [smem:$0x3FFC];
	_ =	sdelay $0x3  }
0x96: {  	_ =	strace s5  }
0x97: {  	s5 =	sld [smem:$0x3FFD];
	_ =	sdelay $0x3  }
0x98: {  	_ =	strace s5  }
0x99: {  	_ =	strace $0x8FFFFFFF  }
0x9a: {  	s19 =	sld [smem:$0x3FDB];
	_ =	sdelay $0x1  }
0x9b: {  	s6 =	simm.s32 $_scs_section_size  }
0x9c: {  	s7 =	simm.s32 $_size__tile_overlayer_lowered;
	s8 =	simm.s32 $_tile_overlayer_lowered  }
0x9d: {  	s22 =	simm.s32 $0x1BFF;
	s21 =	sshll.u32 s8, $0x1;
	s5 =	sadd.s32 s6, s19  }
0x9e: {  	s9 =	simm.s32 $0x0;
	s20 =	sshll.u32 s7, $0x1;
	s7 =	sadd.s32 s21, s5  }
0x9f: {  	[timem:s9], [sflag:s22] =	dma.local [hbm:s7], s20  }
0xa0: {  	_ =	swait.ge [sflag:s22], s20  }
0xa1: {  	s6 =	ssub.s32 $0x0, s20;
	[sflag:s22] =	ssyncset.done $0x0  }
0xa2: {  	[sflag:s22] =	ssyncadd.s32 s6;
	_ =	sdelay $0x1  }
0xa3: {  	s23 =	simm.s32 $0x1B8B  }
0xa4: {  	_ =	swait.ge [sflag:s23], $0x1  }
0xa5: {  	[sflag:s23] =	ssyncset.done $0x0  }
0xa6: {  	s25 =	simm.s32 $0x1B8E;
	s24 =	sld [smem:$0x3FFE];
	[sflag:s23] =	ssyncadd.s32 $0xFFFFFFFF  }
0xa7: {  	s26 =	simm.s32 $execute0_lowered;
	[smem:$0x3FD2] =	sst s25  }
0xa8: {  	s7 =	sshll.u32 s26, $0x1;
	_ =	strace $0x80000046;
	[dreg:$0x1] =	wrdreg $0xFFFFFFFF  }
0xa9: {  	s28 =	simm.s32 $_size_execute0_lowered;
	s5 =	sadd.s32 s5, s7;
	[dreg:$0x0] =	wrdreg $0x0  }
0xaa: {  	s7 =	sshll.u32 s28, $0x1;
	[dreg:$0x2] =	wrdreg s5  }
0xab: {  	[dreg:$0x3] =	wrdreg s7  }
0xac: {  	[dreg:$0x4] =	wrdreg $0xC0  }
0xad: {  	_ =	task [dreg:s9], $0x5FFFF  }
0xae: {  	[dreg:$0x1] =	wrdreg $0xFFFFFFFF  }
0xaf: {  	[dreg:$0x0] =	wrdreg $0x60  }
0xb0: {  	[dreg:$0x2] =	wrdreg s24  }
0xb1: {  	[dreg:$0x3] =	wrdreg s2  }
0xb2: {  	[dreg:$0x4] =	wrdreg s18  }
0xb3: {  	[dreg:$0x5] =	wrdreg s4  }
0xb4: {  	[dreg:$0x6] =	wrdreg $0x154800  }
0xb5: {  	[dreg:$0x7] =	wrdreg $0x9  }
0xb6: {  	_ =	task.clear_ibuf [dreg:s9], $0x8FFFF;
	_ =	strace $0x90000046  }
0xb7: {  	s29 =	simm.s32 $0x9;
	_ =	strace $0x80000048  }
0xb8: {  	_ =	swait.ge [sflag:s29], $0x1  }
0xb9: {  	[sflag:s29] =	ssyncadd.s32 $0xFFFFFFFF  }
0xba: {  	_ =	strace $0x90000048  }
0xbb: {  	_ =	sfence  }
0xbc: {  	s30 =	sld [smem:$0x0];
	_ =	sdelay $0x2  }
0xbd: {  	s31 =	sshll.u32 s1, $0xD;
	s1 =	sshrl.u32 s1, $0x2  }
0xbe: {  	s3 =	sand.u32 $0x4000, s31;
	s1 =	sadd.s32 s1, s30  }
0xbf: {  	s0 =	sor.u32 s3, s0;
	s1 =	sshll.u32 s1, $0x11  }
0xc0: {  	s0 =	sor.u32 s1, s0  }
0xc1: {  	s0 =	sadd.s32 $0x8F2B, s0  }
0xc2: {  	[sflag:s0] =	ssyncadd.remote.s32 $0x1  }
0xc3: {  	_ =	sfence.sel $0xFFFF  }
0xc4: {  	[dreg:$0x0] =	wrdreg $0xFFFFFFFF;
	(pc) =	sbr.abs _section_cstart, $3  }
0xc5: {  	[dreg:$0x1] =	wrdreg $0xFFFFFFFF  }
0xc6: {  	_ =	task.clear_ibuf [dreg:s9], $0x2FFFF;
	_ =	strace $0x9FFFFFFF  }
0xc7: {  	(tm) =	ssettm $0x7FFFFFFF  }
tec
execute0_lowered:
.L_overlay_start_1:
0x0: {  	(tag) =	ssettag $0x1  }
0x1: {  	s6 =	rddreg [dreg:$0x0]  }
0x2: {  	s0 =	rddreg [dreg:$0x1]  }
0x3: {  	s1 =	rddreg [dreg:$0x2]  }
0x4: {  	s7 =	rddreg [dreg:$0x3]  }
0x5: {  	s2 =	srdreg.scid;
	s3 =	rddreg [dreg:$0x4]  }
0x6: {  	s9 =	stileid.u32;
	s4 =	simm.s32 $0x0;
	s12 =	simm.s32 $0x10  }
0x7: {  	s13 =	simm.s32 $0x1000;
	s14 =	simm.s32 $0x80;
	s15 =	simm.s32 $0xC80  }
0x8: {  	s16 =	simm.s32 $0xD480;
	s17 =	simm.s32 $0x1;
	s18 =	simm.s32 $0x11480  }
0x9: {  	s19 =	simm.s32 $0x6400;
	s20 =	simm.s32 $0x2;
	s21 =	simm.s32 $0x3  }
0xa: {  	s22 =	simm.s32 $0x4;
	s5 =	sand.u32 $0x1, s2;
	s2 =	rddreg [dreg:$0x5]  }
0xb: {  	s23 =	simm.s32 $0x0;
	s8 =	sshll.u32 s9, $0x8;
	[smem:$0x7FF] =	sst s4  }
.Ltmp0:
0xc: {  	s6 =	sadd.s32 $0x400, s6;
	s10 =	sshll.u32 s5, $0x7;
	(pc) =	sbr.rel .LBB2_1-.Ltmp0, $4  }
0xd: {  	p0 =	sne.s32 s9, $0x0;
	s11 =	ssub.s32 $0x2, s5;
	s5 =	sor.u32 s10, s8  }
0xe: {  	_ =	strace $0x80000047;
	s31 =	sshrl.u32 s11, $0x1;
	s10 =	smul.u32 $0xC80, s5  }
0xf: {  	s9 =	sshrl.u32 @!p0 s3, $0x3;
	s8 =	ssub.s32 s11, s31;
	s11 =	simm.s32 $0x5  }
0x10: {  	s8 =	smax.u32 s8, $0x1;
	s7 =	sadd.s32 s7, s10;
	s10 =	simm.s32 $0x7080  }
.LBB2_14:
0x11: {  	s23 =	sadd.s32 $0x1, s23  }
0x12: {  	p1 =	sne.s32 s23, s8  }
.Ltmp1:
0x13: {  	_ = 	snop;
	(pc) =	sbr.rel @!p1 .LBB2_15-.Ltmp1, $4  }
0x14: {  	_ = 	snop  }
0x15: {  	_ =	swait.ge [sflag:s22], $0x4000  }
0x16: {  	[sflag:s22] =	ssyncset.done $0x0  }
0x17: {  	[sflag:s22] =	ssyncadd.s32 $0xFFFFC000  }
.LBB2_1:
0x18: {  	s24 =	simm.s32 @!p0 $0x1C01  }
0x19: {  	[spmem:s9], [sflag:s24] =	dma.local @!p0 [hbm:s0], $0x3E80  }
0x1a: {  	[tilespmem:s10], [sflag:$0x5] =	stream.linear.gather [hbm4b:s1+s4], $0x6400, $0x38;
	[tilespmem:$0x173C0] =	vst v63  }
0x1b: {  	_ =	swait.ge [sflag:s11], $0x6400  }
0x1c: {  	[sflag:s11] =	ssyncset.done $0x0  }
0x1d: {  	s25 =	simm.s32 $0x0;
	s24 =	simm.s32 $0xC80;
	[sflag:s11] =	ssyncadd.s32 $0xFFFF9C00  }
.LBB2_2:
0x1e: {  	s26 =	sshll.u32 s25, $0x4  }
0x1f: {  	s26 =	sor.u32 s5, s26  }
0x20: {  	s26 =	sshrl.u32 s26, $0x3  }
0x21: {  	s28 =	simm.s32 $0x0;
	s26 =	sadd.s32 s6, s26  }
0x22: {  	[tilespmem:s28], [sflag:$0x5] =	stream.strided.gather [hbm4b:s26+s12], $0xC80, s13, s12, $0x38;
	[tilespmem:$0x173C0] =	vst v63  }
0x23: {  	_ =	swait.ge [sflag:s11], $0xC80  }
0x24: {  	[sflag:s11] =	ssyncset.done $0x0  }
0x25: {  	s31 =	simm.s32 $0x0;
	[sflag:s11] =	ssyncadd.s32 $0xFFFFF380  }
0x26: {  	v0 =	vimm.f32 $-Inf;
	s26 =	simm.s32 $0x40;
	v1 =	vld [tilespmem:s31+$0x0]  }
.LBB2_3:
0x27: {  	p1 =	seq.s32 s26, $0x31C0  }
.Ltmp2:
0x28: {  	_ = 	snop;
	(pc) =	sbr.rel @!p1 .LBB2_3-.Ltmp2, $3  }
0x29: {  	_ =	sdelay $0x1  }
0x2a: {  	s28 =	sshra.s32 s26, $0x2;
	s26 =	sadd.s32 $0x40, s26;
	v0 =	vmax.f32 v0, v1  }
0x2b: {  	v1 =	vld [tilespmem:s28+$0x0]  }
0x2c: {  	_ =	sdelay $0x3  }
0x2d: {  	v0 =	vmax.f32 v0, v1  }
0x2e: {  	(erf) = vrcp.f32 v0;
	_ =	sdelay $0x3  }
0x2f: {  	s26 =	simm.s32 $0x0  }
0x30: {  	v1 =	vld [tilespmem:s26+$0x0];
	_ =	sdelay $0x3  }
0x31: {  	v0 =	vpop (erf)  }
0x32: {  	v1 =	vmul.f32 v1, v0;
	_ =	sdelay $0x1  }
0x33: {  	v1 =	vmul.f32 $9.990000000e+02, v1;
	_ =	sdelay $0x1  }
0x34: {  	vm0 =	vlt.f32 v1, $0.0e+00  }
0x35: {  	v1 =	vsel vm0, $0x0, v1  }
0x36: {  	v1 =	vtrunc.f32 v1  }
0x37: {  	v1 =	vcvt.f32.s32 v1;
	_ =	sdelay $0x1  }
0x38: {  	s29 =	simm.s32 $0x10;
	s28 =	simm.s32 $0x80;
	s26 =	smov.u32 s24;
	[tilespmem:s24+$0x0] =	vst v1  }
.LBB2_5:
0x39: {  	p1 =	sne.s32 s28, $0x31C0;
	v1 =	vld [tilespmem:s29+$0x0];
	_ =	sdelay $0x4  }
0x3a: {  	v1 =	vmul.f32 v1, v0;
	_ =	sdelay $0x1  }
0x3b: {  	v1 =	vmul.f32 $9.990000000e+02, v1;
	_ =	sdelay $0x1  }
0x3c: {  	vm0 =	vlt.f32 v1, $0.0e+00  }
.Ltmp3:
0x3d: {  	v1 =	vsel vm0, $0x0, v1;
	(pc) =	sbr.rel @p1 .LBB2_5-.Ltmp3, $4  }
0x3e: {  	v1 =	vtrunc.f32 v1  }
0x3f: {  	v1 =	vcvt.f32.s32 v1  }
0x40: {  	s26 =	sadd.s32 $0x80, s26  }
0x41: {  	s29 =	sshra.s32 s28, $0x2;
	s28 =	sadd.s32 $0x40, s28;
	[tilespmem:s26+$0x0] =	vst v1  }
0x42: {  	v1 =	vld [tilespmem:s29+$0x0];
	_ =	sdelay $0x4  }
0x43: {  	v0 =	vmul.f32 v1, v0;
	_ =	sdelay $0x1  }
0x44: {  	v0 =	vmul.f32 $9.990000000e+02, v0  }
0x45: {  	s25 =	sadd.s32 $0x1, s25  }
0x46: {  	p1 =	sne.s32 s25, $0x8;
	vm0 =	vlt.f32 v0, $0.0e+00  }
.Ltmp4:
0x47: {  	v0 =	vsel vm0, $0x0, v0;
	(pc) =	sbr.rel @p1 .LBB2_2-.Ltmp4, $4  }
0x48: {  	v0 =	vtrunc.f32 v0  }
0x49: {  	v0 =	vcvt.f32.s32 v0  }
0x4a: {  	s26 =	sadd.s32 $0x80, s26  }
0x4b: {  	s24 =	sadd.s32 $0x10, s24;
	[tilespmem:s26+$0x0] =	vst v0  }
0x4c: {  	s24 =	simm.s32 @!p0 $0x1  }
0x4d: {  	_ =	swait.ge @!p0 [sflag:s24], $0x3E80  }
0x4e: {  	[sflag:s24] =	ssyncset.done @!p0 $0x0  }
0x4f: {  	[sflag:s24] =	ssyncadd.s32 @!p0 $0xFFFFC180  }
0x50: {  	s24 =	simm.s32 $0x0;
	[bflag:$0x0] =	sbarrier.arrive $0xFFFF  }
0x51: {  	[tilespmem:s16], [sflag:$0x1] =	stream.indirect.gather [spmem:s3], $0x80, s15, s14, $0xb8;
	[tilespmem:$0x173C0] =	vst v63  }
.LBB2_8:
0x52: {  	_ =	swait.ge [sflag:s17], $0x4000  }
0x53: {  	p1 =	seq.s32 s24, $0x0;
	[sflag:s17] =	ssyncset.done $0x0  }
0x54: {  	s26 =	simm.s32 @!p1 $0x4;
	[sflag:s17] =	ssyncadd.s32 $0xFFFFC000  }
0x55: {  	_ =	swait.ge @!p1 [sflag:s26], $0x4000  }
0x56: {  	s25 =	sshll.u32 s24, $0x8;
	[sflag:s26] =	ssyncset.done @!p1 $0x0  }
0x57: {  	s31 =	sadd.s32 $0xD00, s25;
	[sflag:s26] =	ssyncadd.s32 @!p1 $0xFFFFC000  }
0x58: {  	[tilespmem:s18], [sflag:$0x2] =	stream.indirect.gather [spmem:s3], $0x80, s31, s14, $0xb8;
	[tilespmem:$0x173C0] =	vst v63  }
0x59: {  	v0 =	vld [tilespmem:s25+$0x7080]  }
0x5a: {  	v6 =	vld [tilespmem:s25+$0x7090]  }
0x5b: {  	v5 =	vld [tilespmem:s25+$0x70A0]  }
0x5c: {  	v4 =	vld [tilespmem:s25+$0x70B0]  }
0x5d: {  	v3 =	vld [tilespmem:s25+$0x70C0]  }
0x5e: {  	v2 =	vld [tilespmem:s25+$0x70D0]  }
0x5f: {  	v1 =	vld [tilespmem:s25+$0x70E0]  }
0x60: {  	s28 =	simm.s32 $0xD680;
	v7 =	vld [tilespmem:s25+$0x70F0]  }
0x61: {  	v8 =	vld [tilespmem:s28+$0x1F0]  }
0x62: {  	v9 =	vld [tilespmem:s28+$0xFFFFFE10]  }
0x63: {  	v10 =	vld [tilespmem:s28+$0xFFFFFE20]  }
0x64: {  	v11 =	vld [tilespmem:s28+$0xFFFFFE30]  }
0x65: {  	v12 =	vld [tilespmem:s28+$0xFFFFFE40]  }
0x66: {  	v13 =	vld [tilespmem:s28+$0xFFFFFE50];
	v8 =	vmul.f32 $1.131370830e+01, v8  }
0x67: {  	v14 =	vld [tilespmem:s28+$0xFFFFFE60];
	v9 =	vmul.f32 $1.131370830e+01, v9  }
0x68: {  	v15 =	vld [tilespmem:s28+$0xFFFFFE70];
	v10 =	vmul.f32 $1.131370830e+01, v10;
	v8 =	vadd.f32 v8, v7  }
0x69: {  	v16 =	vld [tilespmem:s28+$0xFFFFFE80];
	v11 =	vmul.f32 $1.131370830e+01, v11;
	v9 =	vadd.f32 v9, v6  }
0x6a: {  	v17 =	vld [tilespmem:s28+$0xFFFFFE90];
	v12 =	vmul.f32 $1.131370830e+01, v12;
	v10 =	vadd.f32 v10, v5;
	[tilespmem:s28+$0x1F0] =	vst v8  }
0x6b: {  	[tilespmem:s28+$0xFFFFFE10] =	vst v9;
	v8 =	vadd.f32 v11, v4;
	v9 =	vmul.f32 $1.131370830e+01, v13;
	v11 =	vld [tilespmem:s28+$0xFFFFFEA0]  }
0x6c: {  	[tilespmem:s28+$0xFFFFFE20] =	vst v10;
	v10 =	vadd.f32 v12, v3;
	v12 =	vmul.f32 $1.131370830e+01, v14;
	v13 =	vld [tilespmem:s28+$0xFFFFFEB0]  }
0x6d: {  	v14 =	vld [tilespmem:s28+$0xFFFFFEC0];
	[tilespmem:s28+$0xFFFFFE30] =	vst v8;
	v8 =	vadd.f32 v9, v2;
	v9 =	vmul.f32 $1.131370830e+01, v15  }
0x6e: {  	[tilespmem:s28+$0xFFFFFE40] =	vst v10;
	v10 =	vadd.f32 v12, v1;
	v12 =	vmul.f32 $1.131370830e+01, v16;
	v15 =	vld [tilespmem:s28+$0xFFFFFED0]  }
0x6f: {  	v16 =	vld [tilespmem:s28+$0xFFFFFEE0];
	[tilespmem:s28+$0xFFFFFE50] =	vst v8;
	v8 =	vadd.f32 v9, v7;
	v9 =	vmul.f32 $1.131370830e+01, v17  }
0x70: {  	[tilespmem:s28+$0xFFFFFE60] =	vst v10;
	v10 =	vadd.f32 v12, v0;
	v12 =	vld [tilespmem:s28+$0xFFFFFEF0];
	v11 =	vmul.f32 $1.131370830e+01, v11  }
0x71: {  	[tilespmem:s28+$0xFFFFFE70] =	vst v8;
	v8 =	vadd.f32 v9, v6;
	v9 =	vmul.f32 $1.131370830e+01, v13;
	v13 =	vld [tilespmem:s28+$0xFFFFFF00]  }
0x72: {  	[tilespmem:s28+$0xFFFFFE80] =	vst v10;
	v10 =	vadd.f32 v11, v5;
	v11 =	vmul.f32 $1.131370830e+01, v14;
	v14 =	vld [tilespmem:s28+$0xFFFFFF10]  }
0x73: {  	[tilespmem:s28+$0xFFFFFE90] =	vst v8;
	v8 =	vadd.f32 v9, v4;
	v9 =	vmul.f32 $1.131370830e+01, v15;
	v15 =	vld [tilespmem:s28+$0xFFFFFF20]  }
0x74: {  	[tilespmem:s28+$0xFFFFFEA0] =	vst v10;
	v10 =	vadd.f32 v11, v3;
	v11 =	vmul.f32 $1.131370830e+01, v16;
	v16 =	vld [tilespmem:s28+$0xFFFFFF30]  }
0x75: {  	[tilespmem:s28+$0xFFFFFEB0] =	vst v8;
	v8 =	vadd.f32 v9, v2;
	v9 =	vmul.f32 $1.131370830e+01, v12;
	v12 =	vld [tilespmem:s28+$0xFFFFFF40]  }
0x76: {  	[tilespmem:s28+$0xFFFFFEC0] =	vst v10;
	v10 =	vadd.f32 v11, v1;
	v11 =	vmul.f32 $1.131370830e+01, v13;
	v13 =	vld [tilespmem:s28+$0xFFFFFF50]  }
0x77: {  	[tilespmem:s28+$0xFFFFFED0] =	vst v8;
	v8 =	vadd.f32 v9, v7;
	v9 =	vmul.f32 $1.131370830e+01, v14;
	v14 =	vld [tilespmem:s28+$0xFFFFFF60]  }
0x78: {  	[tilespmem:s28+$0xFFFFFEE0] =	vst v10;
	v10 =	vadd.f32 v11, v0;
	v11 =	vmul.f32 $1.131370830e+01, v15;
	v15 =	vld [tilespmem:s28+$0xFFFFFF70]  }
0x79: {  	[tilespmem:s28+$0xFFFFFEF0] =	vst v8;
	v8 =	vadd.f32 v9, v6;
	v9 =	vmul.f32 $1.131370830e+01, v16;
	v16 =	vld [tilespmem:s28+$0xFFFFFF80]  }
0x7a: {  	[tilespmem:s28+$0xFFFFFF00] =	vst v10;
	v10 =	vadd.f32 v11, v5;
	v11 =	vmul.f32 $1.131370830e+01, v12;
	v12 =	vld [tilespmem:s28+$0xFFFFFF90]  }
0x7b: {  	[tilespmem:s28+$0xFFFFFF10] =	vst v8;
	v8 =	vadd.f32 v9, v4;
	v9 =	vmul.f32 $1.131370830e+01, v13;
	v13 =	vld [tilespmem:s28+$0xFFFFFFA0]  }
0x7c: {  	[tilespmem:s28+$0xFFFFFF20] =	vst v10;
	v10 =	vadd.f32 v11, v3;
	v11 =	vmul.f32 $1.131370830e+01, v14;
	v14 =	vld [tilespmem:s28+$0xFFFFFFB0]  }
0x7d: {  	[tilespmem:s28+$0xFFFFFF30] =	vst v8;
	v8 =	vadd.f32 v9, v2;
	v9 =	vmul.f32 $1.131370830e+01, v15;
	v15 =	vld [tilespmem:s28+$0xFFFFFFC0]  }
0x7e: {  	[tilespmem:s28+$0xFFFFFF40] =	vst v10;
	v10 =	vadd.f32 v11, v1;
	v11 =	vmul.f32 $1.131370830e+01, v16;
	v16 =	vld [tilespmem:s28+$0xFFFFFFD0]  }
0x7f: {  	[tilespmem:s28+$0xFFFFFF50] =	vst v8;
	v8 =	vadd.f32 v9, v7;
	v9 =	vmul.f32 $1.131370830e+01, v12;
	v12 =	vld [tilespmem:s28+$0xFFFFFFE0]  }
0x80: {  	[tilespmem:s28+$0xFFFFFF60] =	vst v10;
	v10 =	vadd.f32 v11, v0;
	v11 =	vmul.f32 $1.131370830e+01, v13;
	v13 =	vld [tilespmem:s28+$0xFFFFFFF0]  }
0x81: {  	[tilespmem:s28+$0xFFFFFF70] =	vst v8;
	v8 =	vadd.f32 v9, v6;
	v9 =	vmul.f32 $1.131370830e+01, v14;
	v14 =	vld [tilespmem:s28+$0x0]  }
0x82: {  	[tilespmem:s28+$0xFFFFFF80] =	vst v10;
	v10 =	vadd.f32 v11, v5;
	v11 =	vmul.f32 $1.131370830e+01, v15;
	v15 =	vld [tilespmem:s28+$0x10]  }
0x83: {  	[tilespmem:s28+$0xFFFFFF90] =	vst v8;
	v8 =	vadd.f32 v9, v4;
	v9 =	vmul.f32 $1.131370830e+01, v16;
	v16 =	vld [tilespmem:s28+$0x20]  }
0x84: {  	[tilespmem:s28+$0xFFFFFFA0] =	vst v10;
	v10 =	vadd.f32 v11, v3;
	v11 =	vmul.f32 $1.131370830e+01, v12;
	v12 =	vld [tilespmem:s28+$0x30]  }
0x85: {  	[tilespmem:s28+$0xFFFFFFB0] =	vst v8;
	v8 =	vadd.f32 v9, v2;
	v9 =	vmul.f32 $1.131370830e+01, v13;
	v13 =	vld [tilespmem:s28+$0x40]  }
0x86: {  	[tilespmem:s28+$0xFFFFFFC0] =	vst v10;
	v10 =	vadd.f32 v11, v1;
	v11 =	vmul.f32 $1.131370830e+01, v14;
	v14 =	vld [tilespmem:s28+$0x50]  }
0x87: {  	[tilespmem:s28+$0xFFFFFFD0] =	vst v8;
	v8 =	vadd.f32 v9, v7;
	v9 =	vmul.f32 $1.131370830e+01, v15;
	v15 =	vld [tilespmem:s28+$0x60]  }
0x88: {  	[tilespmem:s28+$0xFFFFFFE0] =	vst v10;
	v10 =	vadd.f32 v11, v0;
	v11 =	vmul.f32 $1.131370830e+01, v16;
	v16 =	vld [tilespmem:s28+$0x70]  }
0x89: {  	[tilespmem:s28+$0xFFFFFFF0] =	vst v8;
	v8 =	vadd.f32 v9, v6;
	v9 =	vmul.f32 $1.131370830e+01, v12;
	v12 =	vld [tilespmem:s28+$0x80]  }
0x8a: {  	[tilespmem:s28+$0x0] =	vst v10;
	v10 =	vadd.f32 v11, v5;
	v11 =	vmul.f32 $1.131370830e+01, v13;
	v13 =	vld [tilespmem:s28+$0x90]  }
0x8b: {  	[tilespmem:s28+$0x10] =	vst v8;
	v8 =	vadd.f32 v9, v4;
	v9 =	vmul.f32 $1.131370830e+01, v14;
	v14 =	vld [tilespmem:s28+$0xA0]  }
0x8c: {  	[tilespmem:s28+$0x20] =	vst v10;
	v10 =	vadd.f32 v11, v3;
	v11 =	vmul.f32 $1.131370830e+01, v15;
	v15 =	vld [tilespmem:s28+$0xB0]  }
0x8d: {  	[tilespmem:s28+$0x30] =	vst v8;
	v8 =	vadd.f32 v9, v2;
	v9 =	vmul.f32 $1.131370830e+01, v16;
	v16 =	vld [tilespmem:s28+$0xC0]  }
0x8e: {  	[tilespmem:s28+$0x40] =	vst v10;
	v10 =	vadd.f32 v11, v1;
	v11 =	vmul.f32 $1.131370830e+01, v12;
	v12 =	vld [tilespmem:s28+$0xD0]  }
0x8f: {  	[tilespmem:s28+$0x50] =	vst v8;
	v8 =	vadd.f32 v9, v7;
	v9 =	vmul.f32 $1.131370830e+01, v13;
	v13 =	vld [tilespmem:s28+$0xE0]  }
0x90: {  	[tilespmem:s28+$0x60] =	vst v10;
	v10 =	vadd.f32 v11, v0;
	v11 =	vmul.f32 $1.131370830e+01, v14;
	v14 =	vld [tilespmem:s28+$0xF0]  }
0x91: {  	[tilespmem:s28+$0x70] =	vst v8;
	v8 =	vadd.f32 v9, v6;
	v9 =	vmul.f32 $1.131370830e+01, v15;
	v15 =	vld [tilespmem:s28+$0x100]  }
0x92: {  	[tilespmem:s28+$0x80] =	vst v10;
	v10 =	vadd.f32 v11, v5;
	v11 =	vmul.f32 $1.131370830e+01, v16;
	v16 =	vld [tilespmem:s28+$0x110]  }
0x93: {  	[tilespmem:s28+$0x90] =	vst v8;
	v8 =	vadd.f32 v9, v4;
	v9 =	vmul.f32 $1.131370830e+01, v12;
	v12 =	vld [tilespmem:s28+$0x120]  }
0x94: {  	[tilespmem:s28+$0xA0] =	vst v10;
	v10 =	vadd.f32 v11, v3;
	v11 =	vmul.f32 $1.131370830e+01, v13;
	v13 =	vld [tilespmem:s28+$0x130]  }
0x95: {  	[tilespmem:s28+$0xB0] =	vst v8;
	v8 =	vadd.f32 v9, v2;
	v9 =	vmul.f32 $1.131370830e+01, v14;
	v14 =	vld [tilespmem:s28+$0x140]  }
0x96: {  	[tilespmem:s28+$0xC0] =	vst v10;
	v10 =	vadd.f32 v11, v1;
	v11 =	vmul.f32 $1.131370830e+01, v15;
	v15 =	vld [tilespmem:s28+$0x150]  }
0x97: {  	[tilespmem:s28+$0xD0] =	vst v8;
	v8 =	vadd.f32 v9, v7;
	v9 =	vmul.f32 $1.131370830e+01, v16;
	v16 =	vld [tilespmem:s28+$0x160]  }
0x98: {  	[tilespmem:s28+$0xE0] =	vst v10;
	v10 =	vadd.f32 v11, v0;
	v11 =	vmul.f32 $1.131370830e+01, v12;
	v12 =	vld [tilespmem:s28+$0x170]  }
0x99: {  	[tilespmem:s28+$0xF0] =	vst v8;
	v8 =	vadd.f32 v9, v6;
	v9 =	vmul.f32 $1.131370830e+01, v13;
	v13 =	vld [tilespmem:s28+$0x180]  }
0x9a: {  	[tilespmem:s28+$0x100] =	vst v10;
	v10 =	vadd.f32 v11, v5;
	v11 =	vmul.f32 $1.131370830e+01, v14;
	v14 =	vld [tilespmem:s28+$0x190]  }
0x9b: {  	v17 =	vld [tilespmem:s28+$0x1A0];
	[tilespmem:s28+$0x110] =	vst v8;
	v9 =	vadd.f32 v9, v4;
	v15 =	vmul.f32 $1.131370830e+01, v15  }
0x9c: {  	v8 =	vld [tilespmem:s28+$0x1B0];
	[tilespmem:s28+$0x120] =	vst v10;
	v10 =	vadd.f32 v11, v3;
	v11 =	vmul.f32 $1.131370830e+01, v16  }
0x9d: {  	[tilespmem:s28+$0x130] =	vst v9;
	v15 =	vadd.f32 v15, v2;
	v12 =	vmul.f32 $1.131370830e+01, v12;
	v9 =	vld [tilespmem:s28+$0x1C0]  }
0x9e: {  	[tilespmem:s28+$0x140] =	vst v10;
	v16 =	vadd.f32 v11, v1;
	v18 =	vmul.f32 $1.131370830e+01, v13;
	v10 =	vld [tilespmem:s28+$0x1D0]  }
0x9f: {  	v11 =	vld [tilespmem:s28+$0x1E0];
	[tilespmem:s28+$0x150] =	vst v15;
	v13 =	vadd.f32 v12, v7;
	v14 =	vmul.f32 $1.131370830e+01, v14  }
0xa0: {  	s29 =	simm.s32 $0x0;
	s30 =	simm.s32 $0xDA80;
	s26 =	sor.u32 $0x80, s25;
	v12 =	vld [tilespmem:s28+$0xFFFFFE00];
	[tilespmem:s28+$0x160] =	vst v16;
	v15 =	vadd.f32 v18, v0;
	v16 =	vmul.f32 $1.131370830e+01, v17  }
.LBB2_9:
0xa1: {  	v17 =	vld [tilespmem:s30+$0x1F0];
	s29 =	sadd.s32 $0x8, s29;
	[tilespmem:s28+$0x170] =	vst v13;
	v13 =	vadd.f32 v14, v6;
	v8 =	vmul.f32 $1.131370830e+01, v8  }
0xa2: {  	v14 =	vld [tilespmem:s30+$0xFFFFFE10];
	p1 =	slt.u32 s29, $0x78;
	[tilespmem:s28+$0x180] =	vst v15;
	v15 =	vadd.f32 v16, v5;
	v9 =	vmul.f32 $1.131370830e+01, v9  }
0xa3: {  	v16 =	vld [tilespmem:s30+$0xFFFFFE20];
	[tilespmem:s28+$0x190] =	vst v13;
	v8 =	vadd.f32 v8, v4;
	v10 =	vmul.f32 $1.131370830e+01, v10  }
0xa4: {  	v13 =	vld [tilespmem:s30+$0xFFFFFE30];
	[tilespmem:s28+$0x1A0] =	vst v15;
	v9 =	vadd.f32 v9, v3;
	v11 =	vmul.f32 $1.131370830e+01, v11  }
0xa5: {  	v15 =	vld [tilespmem:s30+$0xFFFFFE40];
	v12 =	vmul.f32 $1.131370830e+01, v12;
	[tilespmem:s28+$0x1B0] =	vst v8;
	v8 =	vadd.f32 v10, v2  }
0xa6: {  	v10 =	vld [tilespmem:s30+$0xFFFFFE50];
	v17 =	vmul.f32 $1.131370830e+01, v17;
	[tilespmem:s28+$0x1C0] =	vst v9;
	v9 =	vadd.f32 v11, v1  }
0xa7: {  	v11 =	vmul.f32 $1.131370830e+01, v14;
	v14 =	vld [tilespmem:s30+$0xFFFFFE60];
	v12 =	vadd.f32 v12, v0;
	[tilespmem:s28+$0x1D0] =	vst v8  }
0xa8: {  	v8 =	vmul.f32 $1.131370830e+01, v16;
	v16 =	vld [tilespmem:s30+$0xFFFFFE70];
	v17 =	vadd.f32 v17, v7;
	[tilespmem:s28+$0x1E0] =	vst v9  }
0xa9: {  	v9 =	vadd.f32 v11, v6;
	v11 =	vmul.f32 $1.131370830e+01, v13;
	v13 =	vld [tilespmem:s30+$0xFFFFFE80];
	[tilespmem:s28+$0xFFFFFE00] =	vst v12;
	s28 =	smov.u32 s30  }
0xaa: {  	v8 =	vadd.f32 v8, v5;
	v12 =	vmul.f32 $1.131370830e+01, v15;
	v15 =	vld [tilespmem:s30+$0xFFFFFE90];
	[tilespmem:s30+$0x1F0] =	vst v17  }
0xab: {  	[tilespmem:s30+$0xFFFFFE10] =	vst v9;
	v9 =	vadd.f32 v11, v4;
	v10 =	vmul.f32 $1.131370830e+01, v10;
	v11 =	vld [tilespmem:s30+$0xFFFFFEA0]  }
0xac: {  	[tilespmem:s30+$0xFFFFFE20] =	vst v8;
	v8 =	vadd.f32 v12, v3;
	v12 =	vmul.f32 $1.131370830e+01, v14;
	v14 =	vld [tilespmem:s30+$0xFFFFFEB0]  }
0xad: {  	[tilespmem:s30+$0xFFFFFE30] =	vst v9;
	v9 =	vadd.f32 v10, v2;
	v10 =	vmul.f32 $1.131370830e+01, v16;
	v16 =	vld [tilespmem:s30+$0xFFFFFEC0]  }
0xae: {  	[tilespmem:s30+$0xFFFFFE40] =	vst v8;
	v8 =	vadd.f32 v12, v1;
	v12 =	vmul.f32 $1.131370830e+01, v13;
	v13 =	vld [tilespmem:s30+$0xFFFFFED0]  }
0xaf: {  	[tilespmem:s30+$0xFFFFFE50] =	vst v9;
	v9 =	vadd.f32 v10, v7;
	v10 =	vmul.f32 $1.131370830e+01, v15;
	v15 =	vld [tilespmem:s30+$0xFFFFFEE0]  }
0xb0: {  	[tilespmem:s30+$0xFFFFFE60] =	vst v8;
	v8 =	vadd.f32 v12, v0;
	v11 =	vmul.f32 $1.131370830e+01, v11;
	v12 =	vld [tilespmem:s30+$0xFFFFFEF0]  }
0xb1: {  	[tilespmem:s30+$0xFFFFFE70] =	vst v9;
	v9 =	vadd.f32 v10, v6;
	v10 =	vmul.f32 $1.131370830e+01, v14;
	v14 =	vld [tilespmem:s30+$0xFFFFFF00]  }
0xb2: {  	[tilespmem:s30+$0xFFFFFE80] =	vst v8;
	v8 =	vadd.f32 v11, v5;
	v11 =	vmul.f32 $1.131370830e+01, v16;
	v16 =	vld [tilespmem:s30+$0xFFFFFF10]  }
0xb3: {  	[tilespmem:s30+$0xFFFFFE90] =	vst v9;
	v9 =	vadd.f32 v10, v4;
	v10 =	vmul.f32 $1.131370830e+01, v13;
	v13 =	vld [tilespmem:s30+$0xFFFFFF20]  }
0xb4: {  	[tilespmem:s30+$0xFFFFFEA0] =	vst v8;
	v8 =	vadd.f32 v11, v3;
	v11 =	vmul.f32 $1.131370830e+01, v15;
	v15 =	vld [tilespmem:s30+$0xFFFFFF30]  }
0xb5: {  	[tilespmem:s30+$0xFFFFFEB0] =	vst v9;
	v9 =	vadd.f32 v10, v2;
	v10 =	vmul.f32 $1.131370830e+01, v12;
	v12 =	vld [tilespmem:s30+$0xFFFFFF40]  }
0xb6: {  	[tilespmem:s30+$0xFFFFFEC0] =	vst v8;
	v8 =	vadd.f32 v11, v1;
	v11 =	vmul.f32 $1.131370830e+01, v14;
	v14 =	vld [tilespmem:s30+$0xFFFFFF50]  }
0xb7: {  	[tilespmem:s30+$0xFFFFFED0] =	vst v9;
	v9 =	vadd.f32 v10, v7;
	v10 =	vmul.f32 $1.131370830e+01, v16;
	v16 =	vld [tilespmem:s30+$0xFFFFFF60]  }
0xb8: {  	[tilespmem:s30+$0xFFFFFEE0] =	vst v8;
	v8 =	vadd.f32 v11, v0;
	v11 =	vmul.f32 $1.131370830e+01, v13;
	v13 =	vld [tilespmem:s30+$0xFFFFFF70]  }
0xb9: {  	[tilespmem:s30+$0xFFFFFEF0] =	vst v9;
	v9 =	vadd.f32 v10, v6;
	v10 =	vmul.f32 $1.131370830e+01, v15;
	v15 =	vld [tilespmem:s30+$0xFFFFFF80]  }
0xba: {  	[tilespmem:s30+$0xFFFFFF00] =	vst v8;
	v8 =	vadd.f32 v11, v5;
	v11 =	vmul.f32 $1.131370830e+01, v12;
	v12 =	vld [tilespmem:s30+$0xFFFFFF90]  }
0xbb: {  	[tilespmem:s30+$0xFFFFFF10] =	vst v9;
	v9 =	vadd.f32 v10, v4;
	v10 =	vmul.f32 $1.131370830e+01, v14;
	v14 =	vld [tilespmem:s30+$0xFFFFFFA0]  }
0xbc: {  	[tilespmem:s30+$0xFFFFFF20] =	vst v8;
	v8 =	vadd.f32 v11, v3;
	v11 =	vmul.f32 $1.131370830e+01, v16;
	v16 =	vld [tilespmem:s30+$0xFFFFFFB0]  }
0xbd: {  	[tilespmem:s30+$0xFFFFFF30] =	vst v9;
	v9 =	vadd.f32 v10, v2;
	v10 =	vmul.f32 $1.131370830e+01, v13;
	v13 =	vld [tilespmem:s30+$0xFFFFFFC0]  }
0xbe: {  	[tilespmem:s30+$0xFFFFFF40] =	vst v8;
	v8 =	vadd.f32 v11, v1;
	v11 =	vmul.f32 $1.131370830e+01, v15;
	v15 =	vld [tilespmem:s30+$0xFFFFFFD0]  }
0xbf: {  	[tilespmem:s30+$0xFFFFFF50] =	vst v9;
	v9 =	vadd.f32 v10, v7;
	v10 =	vmul.f32 $1.131370830e+01, v12;
	v12 =	vld [tilespmem:s30+$0xFFFFFFE0]  }
0xc0: {  	[tilespmem:s30+$0xFFFFFF60] =	vst v8;
	v8 =	vadd.f32 v11, v0;
	v11 =	vmul.f32 $1.131370830e+01, v14;
	v14 =	vld [tilespmem:s30+$0xFFFFFFF0]  }
0xc1: {  	[tilespmem:s30+$0xFFFFFF70] =	vst v9;
	v9 =	vadd.f32 v10, v6;
	v10 =	vmul.f32 $1.131370830e+01, v16;
	v16 =	vld [tilespmem:s30+$0x0]  }
0xc2: {  	[tilespmem:s30+$0xFFFFFF80] =	vst v8;
	v8 =	vadd.f32 v11, v5;
	v11 =	vmul.f32 $1.131370830e+01, v13;
	v13 =	vld [tilespmem:s30+$0x10]  }
0xc3: {  	[tilespmem:s30+$0xFFFFFF90] =	vst v9;
	v9 =	vadd.f32 v10, v4;
	v10 =	vmul.f32 $1.131370830e+01, v15;
	v15 =	vld [tilespmem:s30+$0x20]  }
0xc4: {  	[tilespmem:s30+$0xFFFFFFA0] =	vst v8;
	v8 =	vadd.f32 v11, v3;
	v11 =	vmul.f32 $1.131370830e+01, v12;
	v12 =	vld [tilespmem:s30+$0x30]  }
0xc5: {  	[tilespmem:s30+$0xFFFFFFB0] =	vst v9;
	v9 =	vadd.f32 v10, v2;
	v10 =	vmul.f32 $1.131370830e+01, v14;
	v14 =	vld [tilespmem:s30+$0x40]  }
0xc6: {  	[tilespmem:s30+$0xFFFFFFC0] =	vst v8;
	v8 =	vadd.f32 v11, v1;
	v11 =	vmul.f32 $1.131370830e+01, v16;
	v16 =	vld [tilespmem:s30+$0x50]  }
0xc7: {  	[tilespmem:s30+$0xFFFFFFD0] =	vst v9;
	v9 =	vadd.f32 v10, v7;
	v10 =	vmul.f32 $1.131370830e+01, v13;
	v13 =	vld [tilespmem:s30+$0x60]  }
0xc8: {  	[tilespmem:s30+$0xFFFFFFE0] =	vst v8;
	v8 =	vadd.f32 v11, v0;
	v11 =	vmul.f32 $1.131370830e+01, v15;
	v15 =	vld [tilespmem:s30+$0x70]  }
0xc9: {  	[tilespmem:s30+$0xFFFFFFF0] =	vst v9;
	v9 =	vadd.f32 v10, v6;
	v10 =	vmul.f32 $1.131370830e+01, v12;
	v12 =	vld [tilespmem:s30+$0x80]  }
0xca: {  	[tilespmem:s30+$0x0] =	vst v8;
	v8 =	vadd.f32 v11, v5;
	v11 =	vmul.f32 $1.131370830e+01, v14;
	v14 =	vld [tilespmem:s30+$0x90]  }
0xcb: {  	[tilespmem:s30+$0x10] =	vst v9;
	v9 =	vadd.f32 v10, v4;
	v10 =	vmul.f32 $1.131370830e+01, v16;
	v16 =	vld [tilespmem:s30+$0xA0]  }
0xcc: {  	[tilespmem:s30+$0x20] =	vst v8;
	v8 =	vadd.f32 v11, v3;
	v11 =	vmul.f32 $1.131370830e+01, v13;
	v13 =	vld [tilespmem:s30+$0xB0]  }
0xcd: {  	[tilespmem:s30+$0x30] =	vst v9;
	v9 =	vadd.f32 v10, v2;
	v10 =	vmul.f32 $1.131370830e+01, v15;
	v15 =	vld [tilespmem:s30+$0xC0]  }
0xce: {  	[tilespmem:s30+$0x40] =	vst v8;
	v8 =	vadd.f32 v11, v1;
	v11 =	vmul.f32 $1.131370830e+01, v12;
	v12 =	vld [tilespmem:s30+$0xD0]  }
0xcf: {  	[tilespmem:s30+$0x50] =	vst v9;
	v9 =	vadd.f32 v10, v7;
	v10 =	vmul.f32 $1.131370830e+01, v14;
	v14 =	vld [tilespmem:s30+$0xE0]  }
0xd0: {  	[tilespmem:s30+$0x60] =	vst v8;
	v8 =	vadd.f32 v11, v0;
	v11 =	vmul.f32 $1.131370830e+01, v16;
	v16 =	vld [tilespmem:s30+$0xF0]  }
0xd1: {  	[tilespmem:s30+$0x70] =	vst v9;
	v9 =	vadd.f32 v10, v6;
	v10 =	vmul.f32 $1.131370830e+01, v13;
	v13 =	vld [tilespmem:s30+$0x100]  }
0xd2: {  	[tilespmem:s30+$0x80] =	vst v8;
	v8 =	vadd.f32 v11, v5;
	v11 =	vmul.f32 $1.131370830e+01, v15;
	v15 =	vld [tilespmem:s30+$0x110]  }
0xd3: {  	[tilespmem:s30+$0x90] =	vst v9;
	v9 =	vadd.f32 v10, v4;
	v10 =	vmul.f32 $1.131370830e+01, v12;
	v12 =	vld [tilespmem:s30+$0x120]  }
0xd4: {  	[tilespmem:s30+$0xA0] =	vst v8;
	v8 =	vadd.f32 v11, v3;
	v11 =	vmul.f32 $1.131370830e+01, v14;
	v14 =	vld [tilespmem:s30+$0x130]  }
0xd5: {  	[tilespmem:s30+$0xB0] =	vst v9;
	v9 =	vadd.f32 v10, v2;
	v10 =	vmul.f32 $1.131370830e+01, v16;
	v16 =	vld [tilespmem:s30+$0x140]  }
0xd6: {  	[tilespmem:s30+$0xC0] =	vst v8;
	v8 =	vadd.f32 v11, v1;
	v11 =	vmul.f32 $1.131370830e+01, v13;
	v13 =	vld [tilespmem:s30+$0x150]  }
0xd7: {  	[tilespmem:s30+$0xD0] =	vst v9;
	v9 =	vadd.f32 v10, v7;
	v10 =	vmul.f32 $1.131370830e+01, v15;
	v15 =	vld [tilespmem:s30+$0x160]  }
0xd8: {  	[tilespmem:s30+$0xE0] =	vst v8;
	v8 =	vadd.f32 v11, v0;
	v11 =	vmul.f32 $1.131370830e+01, v12;
	v12 =	vld [tilespmem:s30+$0x170]  }
0xd9: {  	[tilespmem:s30+$0xF0] =	vst v9;
	v9 =	vadd.f32 v10, v6;
	v10 =	vmul.f32 $1.131370830e+01, v14;
	v14 =	vld [tilespmem:s30+$0x180]  }
0xda: {  	[tilespmem:s30+$0x100] =	vst v8;
	v8 =	vadd.f32 v11, v5;
	v11 =	vmul.f32 $1.131370830e+01, v16;
	v16 =	vld [tilespmem:s30+$0x190]  }
0xdb: {  	[tilespmem:s30+$0x110] =	vst v9;
	v9 =	vadd.f32 v10, v4;
	v10 =	vmul.f32 $1.131370830e+01, v13;
	v17 =	vld [tilespmem:s30+$0x1A0]  }
.Ltmp5:
0xdc: {  	[tilespmem:s30+$0x120] =	vst v8;
	v11 =	vadd.f32 v11, v3;
	v13 =	vmul.f32 $1.131370830e+01, v15;
	v8 =	vld [tilespmem:s30+$0x1B0];
	(pc) =	sbr.rel @p1 .LBB2_9-.Ltmp5, $4  }
0xdd: {  	[tilespmem:s30+$0x130] =	vst v9;
	v15 =	vadd.f32 v10, v2;
	v12 =	vmul.f32 $1.131370830e+01, v12;
	v9 =	vld [tilespmem:s30+$0x1C0]  }
0xde: {  	[tilespmem:s30+$0x140] =	vst v11;
	v18 =	vadd.f32 v13, v1;
	v19 =	vmul.f32 $1.131370830e+01, v14;
	v10 =	vld [tilespmem:s30+$0x1D0]  }
0xdf: {  	[tilespmem:s30+$0x150] =	vst v15;
	v13 =	vadd.f32 v12, v7;
	v14 =	vmul.f32 $1.131370830e+01, v16;
	v11 =	vld [tilespmem:s30+$0x1E0]  }
0xe0: {  	s30 =	sadd.s32 $0x400, s30;
	v12 =	vld [tilespmem:s28+$0xFFFFFE00];
	[tilespmem:s28+$0x160] =	vst v18;
	v15 =	vadd.f32 v19, v0;
	v16 =	vmul.f32 $1.131370830e+01, v17  }
0xe1: {  	[tilespmem:s28+$0x170] =	vst v13;
	v6 =	vadd.f32 v14, v6;
	v7 =	vmul.f32 $1.131370830e+01, v8  }
0xe2: {  	[tilespmem:s28+$0x180] =	vst v15;
	v5 =	vadd.f32 v16, v5;
	v8 =	vmul.f32 $1.131370830e+01, v9  }
0xe3: {  	[tilespmem:s28+$0x190] =	vst v6;
	v4 =	vadd.f32 v7, v4;
	v6 =	vmul.f32 $1.131370830e+01, v10  }
0xe4: {  	[tilespmem:s28+$0x1A0] =	vst v5;
	v3 =	vadd.f32 v8, v3;
	v5 =	vmul.f32 $1.131370830e+01, v11  }
0xe5: {  	v7 =	vmul.f32 $1.131370830e+01, v12;
	[tilespmem:s28+$0x1B0] =	vst v4;
	v2 =	vadd.f32 v6, v2  }
0xe6: {  	[tilespmem:s28+$0x1C0] =	vst v3;
	v1 =	vadd.f32 v5, v1  }
0xe7: {  	v0 =	vadd.f32 v7, v0;
	[tilespmem:s28+$0x1D0] =	vst v2  }
0xe8: {  	s29 =	sshll.u32 s24, $0x5;
	[tilespmem:s28+$0x1E0] =	vst v1  }
0xe9: {  	[tilespmem:s28+$0xFFFFFE00] =	vst v0;
	s28 =	sadd.s32 s29, s7  }
0xea: {  	[hbm4b:s28+s14] =	stream.strided.scatter [tilespmem:s16], [sflag:$0x3], $0x4000, s19, s14, $0x38;
	[tilespmem:$0x173C0] =	vst v63  }
0xeb: {  	_ =	swait.ge [sflag:s20], $0x4000  }
0xec: {  	[sflag:s20] =	ssyncset.done $0x0  }
0xed: {  	[sflag:s20] =	ssyncadd.s32 $0xFFFFC000  }
0xee: {  	v0 =	vld [tilespmem:s26+$0x7080]  }
0xef: {  	v6 =	vld [tilespmem:s25+$0x7110]  }
0xf0: {  	v5 =	vld [tilespmem:s25+$0x7120]  }
0xf1: {  	v4 =	vld [tilespmem:s25+$0x7130]  }
0xf2: {  	v3 =	vld [tilespmem:s25+$0x7140]  }
0xf3: {  	v2 =	vld [tilespmem:s25+$0x7150]  }
0xf4: {  	v1 =	vld [tilespmem:s25+$0x7160]  }
0xf5: {  	s28 =	simm.s32 $0x11680;
	v7 =	vld [tilespmem:s25+$0x7170]  }
0xf6: {  	v8 =	vld [tilespmem:s28+$0x1F0]  }
0xf7: {  	v9 =	vld [tilespmem:s28+$0xFFFFFE10]  }
0xf8: {  	v10 =	vld [tilespmem:s28+$0xFFFFFE20]  }
0xf9: {  	v11 =	vld [tilespmem:s28+$0xFFFFFE30]  }
0xfa: {  	v12 =	vld [tilespmem:s28+$0xFFFFFE40]  }
0xfb: {  	v13 =	vld [tilespmem:s28+$0xFFFFFE50];
	v8 =	vmul.f32 $1.131370830e+01, v8  }
0xfc: {  	v14 =	vld [tilespmem:s28+$0xFFFFFE60];
	v9 =	vmul.f32 $1.131370830e+01, v9  }
0xfd: {  	v15 =	vld [tilespmem:s28+$0xFFFFFE70];
	v10 =	vmul.f32 $1.131370830e+01, v10;
	v8 =	vadd.f32 v8, v7  }
0xfe: {  	v16 =	vld [tilespmem:s28+$0xFFFFFE80];
	v11 =	vmul.f32 $1.131370830e+01, v11;
	v9 =	vadd.f32 v9, v6  }
0xff: {  	v17 =	vld [tilespmem:s28+$0xFFFFFE90];
	v12 =	vmul.f32 $1.131370830e+01, v12;
	v10 =	vadd.f32 v10, v5;
	[tilespmem:s28+$0x1F0] =	vst v8  }
0x100: {  	[tilespmem:s28+$0xFFFFFE10] =	vst v9;
	v8 =	vadd.f32 v11, v4;
	v9 =	vmul.f32 $1.131370830e+01, v13;
	v11 =	vld [tilespmem:s28+$0xFFFFFEA0]  }
0x101: {  	[tilespmem:s28+$0xFFFFFE20] =	vst v10;
	v10 =	vadd.f32 v12, v3;
	v12 =	vmul.f32 $1.131370830e+01, v14;
	v13 =	vld [tilespmem:s28+$0xFFFFFEB0]  }
0x102: {  	v14 =	vld [tilespmem:s28+$0xFFFFFEC0];
	[tilespmem:s28+$0xFFFFFE30] =	vst v8;
	v8 =	vadd.f32 v9, v2;
	v9 =	vmul.f32 $1.131370830e+01, v15  }
0x103: {  	[tilespmem:s28+$0xFFFFFE40] =	vst v10;
	v10 =	vadd.f32 v12, v1;
	v12 =	vmul.f32 $1.131370830e+01, v16;
	v15 =	vld [tilespmem:s28+$0xFFFFFED0]  }
0x104: {  	v16 =	vld [tilespmem:s28+$0xFFFFFEE0];
	[tilespmem:s28+$0xFFFFFE50] =	vst v8;
	v8 =	vadd.f32 v9, v7;
	v9 =	vmul.f32 $1.131370830e+01, v17  }
0x105: {  	[tilespmem:s28+$0xFFFFFE60] =	vst v10;
	v10 =	vadd.f32 v12, v0;
	v12 =	vld [tilespmem:s28+$0xFFFFFEF0];
	v11 =	vmul.f32 $1.131370830e+01, v11  }
0x106: {  	[tilespmem:s28+$0xFFFFFE70] =	vst v8;
	v8 =	vadd.f32 v9, v6;
	v9 =	vmul.f32 $1.131370830e+01, v13;
	v13 =	vld [tilespmem:s28+$0xFFFFFF00]  }
0x107: {  	[tilespmem:s28+$0xFFFFFE80] =	vst v10;
	v10 =	vadd.f32 v11, v5;
	v11 =	vmul.f32 $1.131370830e+01, v14;
	v14 =	vld [tilespmem:s28+$0xFFFFFF10]  }
0x108: {  	[tilespmem:s28+$0xFFFFFE90] =	vst v8;
	v8 =	vadd.f32 v9, v4;
	v9 =	vmul.f32 $1.131370830e+01, v15;
	v15 =	vld [tilespmem:s28+$0xFFFFFF20]  }
0x109: {  	[tilespmem:s28+$0xFFFFFEA0] =	vst v10;
	v10 =	vadd.f32 v11, v3;
	v11 =	vmul.f32 $1.131370830e+01, v16;
	v16 =	vld [tilespmem:s28+$0xFFFFFF30]  }
0x10a: {  	[tilespmem:s28+$0xFFFFFEB0] =	vst v8;
	v8 =	vadd.f32 v9, v2;
	v9 =	vmul.f32 $1.131370830e+01, v12;
	v12 =	vld [tilespmem:s28+$0xFFFFFF40]  }
0x10b: {  	[tilespmem:s28+$0xFFFFFEC0] =	vst v10;
	v10 =	vadd.f32 v11, v1;
	v11 =	vmul.f32 $1.131370830e+01, v13;
	v13 =	vld [tilespmem:s28+$0xFFFFFF50]  }
0x10c: {  	[tilespmem:s28+$0xFFFFFED0] =	vst v8;
	v8 =	vadd.f32 v9, v7;
	v9 =	vmul.f32 $1.131370830e+01, v14;
	v14 =	vld [tilespmem:s28+$0xFFFFFF60]  }
0x10d: {  	[tilespmem:s28+$0xFFFFFEE0] =	vst v10;
	v10 =	vadd.f32 v11, v0;
	v11 =	vmul.f32 $1.131370830e+01, v15;
	v15 =	vld [tilespmem:s28+$0xFFFFFF70]  }
0x10e: {  	[tilespmem:s28+$0xFFFFFEF0] =	vst v8;
	v8 =	vadd.f32 v9, v6;
	v9 =	vmul.f32 $1.131370830e+01, v16;
	v16 =	vld [tilespmem:s28+$0xFFFFFF80]  }
0x10f: {  	[tilespmem:s28+$0xFFFFFF00] =	vst v10;
	v10 =	vadd.f32 v11, v5;
	v11 =	vmul.f32 $1.131370830e+01, v12;
	v12 =	vld [tilespmem:s28+$0xFFFFFF90]  }
0x110: {  	[tilespmem:s28+$0xFFFFFF10] =	vst v8;
	v8 =	vadd.f32 v9, v4;
	v9 =	vmul.f32 $1.131370830e+01, v13;
	v13 =	vld [tilespmem:s28+$0xFFFFFFA0]  }
0x111: {  	[tilespmem:s28+$0xFFFFFF20] =	vst v10;
	v10 =	vadd.f32 v11, v3;
	v11 =	vmul.f32 $1.131370830e+01, v14;
	v14 =	vld [tilespmem:s28+$0xFFFFFFB0]  }
0x112: {  	[tilespmem:s28+$0xFFFFFF30] =	vst v8;
	v8 =	vadd.f32 v9, v2;
	v9 =	vmul.f32 $1.131370830e+01, v15;
	v15 =	vld [tilespmem:s28+$0xFFFFFFC0]  }
0x113: {  	[tilespmem:s28+$0xFFFFFF40] =	vst v10;
	v10 =	vadd.f32 v11, v1;
	v11 =	vmul.f32 $1.131370830e+01, v16;
	v16 =	vld [tilespmem:s28+$0xFFFFFFD0]  }
0x114: {  	[tilespmem:s28+$0xFFFFFF50] =	vst v8;
	v8 =	vadd.f32 v9, v7;
	v9 =	vmul.f32 $1.131370830e+01, v12;
	v12 =	vld [tilespmem:s28+$0xFFFFFFE0]  }
0x115: {  	[tilespmem:s28+$0xFFFFFF60] =	vst v10;
	v10 =	vadd.f32 v11, v0;
	v11 =	vmul.f32 $1.131370830e+01, v13;
	v13 =	vld [tilespmem:s28+$0xFFFFFFF0]  }
0x116: {  	[tilespmem:s28+$0xFFFFFF70] =	vst v8;
	v8 =	vadd.f32 v9, v6;
	v9 =	vmul.f32 $1.131370830e+01, v14;
	v14 =	vld [tilespmem:s28+$0x0]  }
0x117: {  	[tilespmem:s28+$0xFFFFFF80] =	vst v10;
	v10 =	vadd.f32 v11, v5;
	v11 =	vmul.f32 $1.131370830e+01, v15;
	v15 =	vld [tilespmem:s28+$0x10]  }
0x118: {  	[tilespmem:s28+$0xFFFFFF90] =	vst v8;
	v8 =	vadd.f32 v9, v4;
	v9 =	vmul.f32 $1.131370830e+01, v16;
	v16 =	vld [tilespmem:s28+$0x20]  }
0x119: {  	[tilespmem:s28+$0xFFFFFFA0] =	vst v10;
	v10 =	vadd.f32 v11, v3;
	v11 =	vmul.f32 $1.131370830e+01, v12;
	v12 =	vld [tilespmem:s28+$0x30]  }
0x11a: {  	[tilespmem:s28+$0xFFFFFFB0] =	vst v8;
	v8 =	vadd.f32 v9, v2;
	v9 =	vmul.f32 $1.131370830e+01, v13;
	v13 =	vld [tilespmem:s28+$0x40]  }
0x11b: {  	[tilespmem:s28+$0xFFFFFFC0] =	vst v10;
	v10 =	vadd.f32 v11, v1;
	v11 =	vmul.f32 $1.131370830e+01, v14;
	v14 =	vld [tilespmem:s28+$0x50]  }
0x11c: {  	[tilespmem:s28+$0xFFFFFFD0] =	vst v8;
	v8 =	vadd.f32 v9, v7;
	v9 =	vmul.f32 $1.131370830e+01, v15;
	v15 =	vld [tilespmem:s28+$0x60]  }
0x11d: {  	[tilespmem:s28+$0xFFFFFFE0] =	vst v10;
	v10 =	vadd.f32 v11, v0;
	v11 =	vmul.f32 $1.131370830e+01, v16;
	v16 =	vld [tilespmem:s28+$0x70]  }
0x11e: {  	[tilespmem:s28+$0xFFFFFFF0] =	vst v8;
	v8 =	vadd.f32 v9, v6;
	v9 =	vmul.f32 $1.131370830e+01, v12;
	v12 =	vld [tilespmem:s28+$0x80]  }
0x11f: {  	[tilespmem:s28+$0x0] =	vst v10;
	v10 =	vadd.f32 v11, v5;
	v11 =	vmul.f32 $1.131370830e+01, v13;
	v13 =	vld [tilespmem:s28+$0x90]  }
0x120: {  	[tilespmem:s28+$0x10] =	vst v8;
	v8 =	vadd.f32 v9, v4;
	v9 =	vmul.f32 $1.131370830e+01, v14;
	v14 =	vld [tilespmem:s28+$0xA0]  }
0x121: {  	[tilespmem:s28+$0x20] =	vst v10;
	v10 =	vadd.f32 v11, v3;
	v11 =	vmul.f32 $1.131370830e+01, v15;
	v15 =	vld [tilespmem:s28+$0xB0]  }
0x122: {  	[tilespmem:s28+$0x30] =	vst v8;
	v8 =	vadd.f32 v9, v2;
	v9 =	vmul.f32 $1.131370830e+01, v16;
	v16 =	vld [tilespmem:s28+$0xC0]  }
0x123: {  	[tilespmem:s28+$0x40] =	vst v10;
	v10 =	vadd.f32 v11, v1;
	v11 =	vmul.f32 $1.131370830e+01, v12;
	v12 =	vld [tilespmem:s28+$0xD0]  }
0x124: {  	[tilespmem:s28+$0x50] =	vst v8;
	v8 =	vadd.f32 v9, v7;
	v9 =	vmul.f32 $1.131370830e+01, v13;
	v13 =	vld [tilespmem:s28+$0xE0]  }
0x125: {  	[tilespmem:s28+$0x60] =	vst v10;
	v10 =	vadd.f32 v11, v0;
	v11 =	vmul.f32 $1.131370830e+01, v14;
	v14 =	vld [tilespmem:s28+$0xF0]  }
0x126: {  	[tilespmem:s28+$0x70] =	vst v8;
	v8 =	vadd.f32 v9, v6;
	v9 =	vmul.f32 $1.131370830e+01, v15;
	v15 =	vld [tilespmem:s28+$0x100]  }
0x127: {  	[tilespmem:s28+$0x80] =	vst v10;
	v10 =	vadd.f32 v11, v5;
	v11 =	vmul.f32 $1.131370830e+01, v16;
	v16 =	vld [tilespmem:s28+$0x110]  }
0x128: {  	[tilespmem:s28+$0x90] =	vst v8;
	v8 =	vadd.f32 v9, v4;
	v9 =	vmul.f32 $1.131370830e+01, v12;
	v12 =	vld [tilespmem:s28+$0x120]  }
0x129: {  	[tilespmem:s28+$0xA0] =	vst v10;
	v10 =	vadd.f32 v11, v3;
	v11 =	vmul.f32 $1.131370830e+01, v13;
	v13 =	vld [tilespmem:s28+$0x130]  }
0x12a: {  	[tilespmem:s28+$0xB0] =	vst v8;
	v8 =	vadd.f32 v9, v2;
	v9 =	vmul.f32 $1.131370830e+01, v14;
	v14 =	vld [tilespmem:s28+$0x140]  }
0x12b: {  	[tilespmem:s28+$0xC0] =	vst v10;
	v10 =	vadd.f32 v11, v1;
	v11 =	vmul.f32 $1.131370830e+01, v15;
	v15 =	vld [tilespmem:s28+$0x150]  }
0x12c: {  	[tilespmem:s28+$0xD0] =	vst v8;
	v8 =	vadd.f32 v9, v7;
	v9 =	vmul.f32 $1.131370830e+01, v16;
	v16 =	vld [tilespmem:s28+$0x160]  }
0x12d: {  	[tilespmem:s28+$0xE0] =	vst v10;
	v10 =	vadd.f32 v11, v0;
	v11 =	vmul.f32 $1.131370830e+01, v12;
	v12 =	vld [tilespmem:s28+$0x170]  }
0x12e: {  	[tilespmem:s28+$0xF0] =	vst v8;
	v8 =	vadd.f32 v9, v6;
	v9 =	vmul.f32 $1.131370830e+01, v13;
	v13 =	vld [tilespmem:s28+$0x180]  }
0x12f: {  	[tilespmem:s28+$0x100] =	vst v10;
	v10 =	vadd.f32 v11, v5;
	v11 =	vmul.f32 $1.131370830e+01, v14;
	v14 =	vld [tilespmem:s28+$0x190]  }
0x130: {  	v17 =	vld [tilespmem:s28+$0x1A0];
	[tilespmem:s28+$0x110] =	vst v8;
	v9 =	vadd.f32 v9, v4;
	v15 =	vmul.f32 $1.131370830e+01, v15  }
0x131: {  	v8 =	vld [tilespmem:s28+$0x1B0];
	[tilespmem:s28+$0x120] =	vst v10;
	v10 =	vadd.f32 v11, v3;
	v11 =	vmul.f32 $1.131370830e+01, v16  }
0x132: {  	[tilespmem:s28+$0x130] =	vst v9;
	v15 =	vadd.f32 v15, v2;
	v12 =	vmul.f32 $1.131370830e+01, v12;
	v9 =	vld [tilespmem:s28+$0x1C0]  }
0x133: {  	[tilespmem:s28+$0x140] =	vst v10;
	v16 =	vadd.f32 v11, v1;
	v18 =	vmul.f32 $1.131370830e+01, v13;
	v10 =	vld [tilespmem:s28+$0x1D0]  }
0x134: {  	v11 =	vld [tilespmem:s28+$0x1E0];
	[tilespmem:s28+$0x150] =	vst v15;
	v13 =	vadd.f32 v12, v7;
	v14 =	vmul.f32 $1.131370830e+01, v14  }
0x135: {  	s30 =	simm.s32 $0x11A80;
	s29 =	simm.s32 $0x0;
	v12 =	vld [tilespmem:s28+$0xFFFFFE00];
	[tilespmem:s28+$0x160] =	vst v16;
	v15 =	vadd.f32 v18, v0;
	v16 =	vmul.f32 $1.131370830e+01, v17  }
.LBB2_11:
0x136: {  	v17 =	vld [tilespmem:s30+$0x1F0];
	s29 =	sadd.s32 $0x8, s29;
	[tilespmem:s28+$0x170] =	vst v13;
	v13 =	vadd.f32 v14, v6;
	v8 =	vmul.f32 $1.131370830e+01, v8  }
0x137: {  	v14 =	vld [tilespmem:s30+$0xFFFFFE10];
	p1 =	slt.u32 s29, $0x78;
	[tilespmem:s28+$0x180] =	vst v15;
	v15 =	vadd.f32 v16, v5;
	v9 =	vmul.f32 $1.131370830e+01, v9  }
0x138: {  	v16 =	vld [tilespmem:s30+$0xFFFFFE20];
	[tilespmem:s28+$0x190] =	vst v13;
	v8 =	vadd.f32 v8, v4;
	v10 =	vmul.f32 $1.131370830e+01, v10  }
0x139: {  	v13 =	vld [tilespmem:s30+$0xFFFFFE30];
	[tilespmem:s28+$0x1A0] =	vst v15;
	v9 =	vadd.f32 v9, v3;
	v11 =	vmul.f32 $1.131370830e+01, v11  }
0x13a: {  	v15 =	vld [tilespmem:s30+$0xFFFFFE40];
	v12 =	vmul.f32 $1.131370830e+01, v12;
	[tilespmem:s28+$0x1B0] =	vst v8;
	v8 =	vadd.f32 v10, v2  }
0x13b: {  	v10 =	vld [tilespmem:s30+$0xFFFFFE50];
	v17 =	vmul.f32 $1.131370830e+01, v17;
	[tilespmem:s28+$0x1C0] =	vst v9;
	v9 =	vadd.f32 v11, v1  }
0x13c: {  	v11 =	vmul.f32 $1.131370830e+01, v14;
	v14 =	vld [tilespmem:s30+$0xFFFFFE60];
	v12 =	vadd.f32 v12, v0;
	[tilespmem:s28+$0x1D0] =	vst v8  }
0x13d: {  	v8 =	vmul.f32 $1.131370830e+01, v16;
	v16 =	vld [tilespmem:s30+$0xFFFFFE70];
	v17 =	vadd.f32 v17, v7;
	[tilespmem:s28+$0x1E0] =	vst v9  }
0x13e: {  	v9 =	vadd.f32 v11, v6;
	v11 =	vmul.f32 $1.131370830e+01, v13;
	v13 =	vld [tilespmem:s30+$0xFFFFFE80];
	[tilespmem:s28+$0xFFFFFE00] =	vst v12;
	s28 =	smov.u32 s30  }
0x13f: {  	v8 =	vadd.f32 v8, v5;
	v12 =	vmul.f32 $1.131370830e+01, v15;
	v15 =	vld [tilespmem:s30+$0xFFFFFE90];
	[tilespmem:s30+$0x1F0] =	vst v17  }
0x140: {  	[tilespmem:s30+$0xFFFFFE10] =	vst v9;
	v9 =	vadd.f32 v11, v4;
	v10 =	vmul.f32 $1.131370830e+01, v10;
	v11 =	vld [tilespmem:s30+$0xFFFFFEA0]  }
0x141: {  	[tilespmem:s30+$0xFFFFFE20] =	vst v8;
	v8 =	vadd.f32 v12, v3;
	v12 =	vmul.f32 $1.131370830e+01, v14;
	v14 =	vld [tilespmem:s30+$0xFFFFFEB0]  }
0x142: {  	[tilespmem:s30+$0xFFFFFE30] =	vst v9;
	v9 =	vadd.f32 v10, v2;
	v10 =	vmul.f32 $1.131370830e+01, v16;
	v16 =	vld [tilespmem:s30+$0xFFFFFEC0]  }
0x143: {  	[tilespmem:s30+$0xFFFFFE40] =	vst v8;
	v8 =	vadd.f32 v12, v1;
	v12 =	vmul.f32 $1.131370830e+01, v13;
	v13 =	vld [tilespmem:s30+$0xFFFFFED0]  }
0x144: {  	[tilespmem:s30+$0xFFFFFE50] =	vst v9;
	v9 =	vadd.f32 v10, v7;
	v10 =	vmul.f32 $1.131370830e+01, v15;
	v15 =	vld [tilespmem:s30+$0xFFFFFEE0]  }
0x145: {  	[tilespmem:s30+$0xFFFFFE60] =	vst v8;
	v8 =	vadd.f32 v12, v0;
	v11 =	vmul.f32 $1.131370830e+01, v11;
	v12 =	vld [tilespmem:s30+$0xFFFFFEF0]  }
0x146: {  	[tilespmem:s30+$0xFFFFFE70] =	vst v9;
	v9 =	vadd.f32 v10, v6;
	v10 =	vmul.f32 $1.131370830e+01, v14;
	v14 =	vld [tilespmem:s30+$0xFFFFFF00]  }
0x147: {  	[tilespmem:s30+$0xFFFFFE80] =	vst v8;
	v8 =	vadd.f32 v11, v5;
	v11 =	vmul.f32 $1.131370830e+01, v16;
	v16 =	vld [tilespmem:s30+$0xFFFFFF10]  }
0x148: {  	[tilespmem:s30+$0xFFFFFE90] =	vst v9;
	v9 =	vadd.f32 v10, v4;
	v10 =	vmul.f32 $1.131370830e+01, v13;
	v13 =	vld [tilespmem:s30+$0xFFFFFF20]  }
0x149: {  	[tilespmem:s30+$0xFFFFFEA0] =	vst v8;
	v8 =	vadd.f32 v11, v3;
	v11 =	vmul.f32 $1.131370830e+01, v15;
	v15 =	vld [tilespmem:s30+$0xFFFFFF30]  }
0x14a: {  	[tilespmem:s30+$0xFFFFFEB0] =	vst v9;
	v9 =	vadd.f32 v10, v2;
	v10 =	vmul.f32 $1.131370830e+01, v12;
	v12 =	vld [tilespmem:s30+$0xFFFFFF40]  }
0x14b: {  	[tilespmem:s30+$0xFFFFFEC0] =	vst v8;
	v8 =	vadd.f32 v11, v1;
	v11 =	vmul.f32 $1.131370830e+01, v14;
	v14 =	vld [tilespmem:s30+$0xFFFFFF50]  }
0x14c: {  	[tilespmem:s30+$0xFFFFFED0] =	vst v9;
	v9 =	vadd.f32 v10, v7;
	v10 =	vmul.f32 $1.131370830e+01, v16;
	v16 =	vld [tilespmem:s30+$0xFFFFFF60]  }
0x14d: {  	[tilespmem:s30+$0xFFFFFEE0] =	vst v8;
	v8 =	vadd.f32 v11, v0;
	v11 =	vmul.f32 $1.131370830e+01, v13;
	v13 =	vld [tilespmem:s30+$0xFFFFFF70]  }
0x14e: {  	[tilespmem:s30+$0xFFFFFEF0] =	vst v9;
	v9 =	vadd.f32 v10, v6;
	v10 =	vmul.f32 $1.131370830e+01, v15;
	v15 =	vld [tilespmem:s30+$0xFFFFFF80]  }
0x14f: {  	[tilespmem:s30+$0xFFFFFF00] =	vst v8;
	v8 =	vadd.f32 v11, v5;
	v11 =	vmul.f32 $1.131370830e+01, v12;
	v12 =	vld [tilespmem:s30+$0xFFFFFF90]  }
0x150: {  	[tilespmem:s30+$0xFFFFFF10] =	vst v9;
	v9 =	vadd.f32 v10, v4;
	v10 =	vmul.f32 $1.131370830e+01, v14;
	v14 =	vld [tilespmem:s30+$0xFFFFFFA0]  }
0x151: {  	[tilespmem:s30+$0xFFFFFF20] =	vst v8;
	v8 =	vadd.f32 v11, v3;
	v11 =	vmul.f32 $1.131370830e+01, v16;
	v16 =	vld [tilespmem:s30+$0xFFFFFFB0]  }
0x152: {  	[tilespmem:s30+$0xFFFFFF30] =	vst v9;
	v9 =	vadd.f32 v10, v2;
	v10 =	vmul.f32 $1.131370830e+01, v13;
	v13 =	vld [tilespmem:s30+$0xFFFFFFC0]  }
0x153: {  	[tilespmem:s30+$0xFFFFFF40] =	vst v8;
	v8 =	vadd.f32 v11, v1;
	v11 =	vmul.f32 $1.131370830e+01, v15;
	v15 =	vld [tilespmem:s30+$0xFFFFFFD0]  }
0x154: {  	[tilespmem:s30+$0xFFFFFF50] =	vst v9;
	v9 =	vadd.f32 v10, v7;
	v10 =	vmul.f32 $1.131370830e+01, v12;
	v12 =	vld [tilespmem:s30+$0xFFFFFFE0]  }
0x155: {  	[tilespmem:s30+$0xFFFFFF60] =	vst v8;
	v8 =	vadd.f32 v11, v0;
	v11 =	vmul.f32 $1.131370830e+01, v14;
	v14 =	vld [tilespmem:s30+$0xFFFFFFF0]  }
0x156: {  	[tilespmem:s30+$0xFFFFFF70] =	vst v9;
	v9 =	vadd.f32 v10, v6;
	v10 =	vmul.f32 $1.131370830e+01, v16;
	v16 =	vld [tilespmem:s30+$0x0]  }
0x157: {  	[tilespmem:s30+$0xFFFFFF80] =	vst v8;
	v8 =	vadd.f32 v11, v5;
	v11 =	vmul.f32 $1.131370830e+01, v13;
	v13 =	vld [tilespmem:s30+$0x10]  }
0x158: {  	[tilespmem:s30+$0xFFFFFF90] =	vst v9;
	v9 =	vadd.f32 v10, v4;
	v10 =	vmul.f32 $1.131370830e+01, v15;
	v15 =	vld [tilespmem:s30+$0x20]  }
0x159: {  	[tilespmem:s30+$0xFFFFFFA0] =	vst v8;
	v8 =	vadd.f32 v11, v3;
	v11 =	vmul.f32 $1.131370830e+01, v12;
	v12 =	vld [tilespmem:s30+$0x30]  }
0x15a: {  	[tilespmem:s30+$0xFFFFFFB0] =	vst v9;
	v9 =	vadd.f32 v10, v2;
	v10 =	vmul.f32 $1.131370830e+01, v14;
	v14 =	vld [tilespmem:s30+$0x40]  }
0x15b: {  	[tilespmem:s30+$0xFFFFFFC0] =	vst v8;
	v8 =	vadd.f32 v11, v1;
	v11 =	vmul.f32 $1.131370830e+01, v16;
	v16 =	vld [tilespmem:s30+$0x50]  }
0x15c: {  	[tilespmem:s30+$0xFFFFFFD0] =	vst v9;
	v9 =	vadd.f32 v10, v7;
	v10 =	vmul.f32 $1.131370830e+01, v13;
	v13 =	vld [tilespmem:s30+$0x60]  }
0x15d: {  	[tilespmem:s30+$0xFFFFFFE0] =	vst v8;
	v8 =	vadd.f32 v11, v0;
	v11 =	vmul.f32 $1.131370830e+01, v15;
	v15 =	vld [tilespmem:s30+$0x70]  }
0x15e: {  	[tilespmem:s30+$0xFFFFFFF0] =	vst v9;
	v9 =	vadd.f32 v10, v6;
	v10 =	vmul.f32 $1.131370830e+01, v12;
	v12 =	vld [tilespmem:s30+$0x80]  }
0x15f: {  	[tilespmem:s30+$0x0] =	vst v8;
	v8 =	vadd.f32 v11, v5;
	v11 =	vmul.f32 $1.131370830e+01, v14;
	v14 =	vld [tilespmem:s30+$0x90]  }
0x160: {  	[tilespmem:s30+$0x10] =	vst v9;
	v9 =	vadd.f32 v10, v4;
	v10 =	vmul.f32 $1.131370830e+01, v16;
	v16 =	vld [tilespmem:s30+$0xA0]  }
0x161: {  	[tilespmem:s30+$0x20] =	vst v8;
	v8 =	vadd.f32 v11, v3;
	v11 =	vmul.f32 $1.131370830e+01, v13;
	v13 =	vld [tilespmem:s30+$0xB0]  }
0x162: {  	[tilespmem:s30+$0x30] =	vst v9;
	v9 =	vadd.f32 v10, v2;
	v10 =	vmul.f32 $1.131370830e+01, v15;
	v15 =	vld [tilespmem:s30+$0xC0]  }
0x163: {  	[tilespmem:s30+$0x40] =	vst v8;
	v8 =	vadd.f32 v11, v1;
	v11 =	vmul.f32 $1.131370830e+01, v12;
	v12 =	vld [tilespmem:s30+$0xD0]  }
0x164: {  	[tilespmem:s30+$0x50] =	vst v9;
	v9 =	vadd.f32 v10, v7;
	v10 =	vmul.f32 $1.131370830e+01, v14;
	v14 =	vld [tilespmem:s30+$0xE0]  }
0x165: {  	[tilespmem:s30+$0x60] =	vst v8;
	v8 =	vadd.f32 v11, v0;
	v11 =	vmul.f32 $1.131370830e+01, v16;
	v16 =	vld [tilespmem:s30+$0xF0]  }
0x166: {  	[tilespmem:s30+$0x70] =	vst v9;
	v9 =	vadd.f32 v10, v6;
	v10 =	vmul.f32 $1.131370830e+01, v13;
	v13 =	vld [tilespmem:s30+$0x100]  }
0x167: {  	[tilespmem:s30+$0x80] =	vst v8;
	v8 =	vadd.f32 v11, v5;
	v11 =	vmul.f32 $1.131370830e+01, v15;
	v15 =	vld [tilespmem:s30+$0x110]  }
0x168: {  	[tilespmem:s30+$0x90] =	vst v9;
	v9 =	vadd.f32 v10, v4;
	v10 =	vmul.f32 $1.131370830e+01, v12;
	v12 =	vld [tilespmem:s30+$0x120]  }
0x169: {  	[tilespmem:s30+$0xA0] =	vst v8;
	v8 =	vadd.f32 v11, v3;
	v11 =	vmul.f32 $1.131370830e+01, v14;
	v14 =	vld [tilespmem:s30+$0x130]  }
0x16a: {  	[tilespmem:s30+$0xB0] =	vst v9;
	v9 =	vadd.f32 v10, v2;
	v10 =	vmul.f32 $1.131370830e+01, v16;
	v16 =	vld [tilespmem:s30+$0x140]  }
0x16b: {  	[tilespmem:s30+$0xC0] =	vst v8;
	v8 =	vadd.f32 v11, v1;
	v11 =	vmul.f32 $1.131370830e+01, v13;
	v13 =	vld [tilespmem:s30+$0x150]  }
0x16c: {  	[tilespmem:s30+$0xD0] =	vst v9;
	v9 =	vadd.f32 v10, v7;
	v10 =	vmul.f32 $1.131370830e+01, v15;
	v15 =	vld [tilespmem:s30+$0x160]  }
0x16d: {  	[tilespmem:s30+$0xE0] =	vst v8;
	v8 =	vadd.f32 v11, v0;
	v11 =	vmul.f32 $1.131370830e+01, v12;
	v12 =	vld [tilespmem:s30+$0x170]  }
0x16e: {  	[tilespmem:s30+$0xF0] =	vst v9;
	v9 =	vadd.f32 v10, v6;
	v10 =	vmul.f32 $1.131370830e+01, v14;
	v14 =	vld [tilespmem:s30+$0x180]  }
0x16f: {  	[tilespmem:s30+$0x100] =	vst v8;
	v8 =	vadd.f32 v11, v5;
	v11 =	vmul.f32 $1.131370830e+01, v16;
	v16 =	vld [tilespmem:s30+$0x190]  }
0x170: {  	[tilespmem:s30+$0x110] =	vst v9;
	v9 =	vadd.f32 v10, v4;
	v10 =	vmul.f32 $1.131370830e+01, v13;
	v17 =	vld [tilespmem:s30+$0x1A0]  }
.Ltmp6:
0x171: {  	[tilespmem:s30+$0x120] =	vst v8;
	v11 =	vadd.f32 v11, v3;
	v13 =	vmul.f32 $1.131370830e+01, v15;
	v8 =	vld [tilespmem:s30+$0x1B0];
	(pc) =	sbr.rel @p1 .LBB2_11-.Ltmp6, $4  }
0x172: {  	[tilespmem:s30+$0x130] =	vst v9;
	v15 =	vadd.f32 v10, v2;
	v12 =	vmul.f32 $1.131370830e+01, v12;
	v9 =	vld [tilespmem:s30+$0x1C0]  }
0x173: {  	[tilespmem:s30+$0x140] =	vst v11;
	v18 =	vadd.f32 v13, v1;
	v19 =	vmul.f32 $1.131370830e+01, v14;
	v10 =	vld [tilespmem:s30+$0x1D0]  }
0x174: {  	[tilespmem:s30+$0x150] =	vst v15;
	v13 =	vadd.f32 v12, v7;
	v14 =	vmul.f32 $1.131370830e+01, v16;
	v11 =	vld [tilespmem:s30+$0x1E0]  }
0x175: {  	s30 =	sadd.s32 $0x400, s30;
	v12 =	vld [tilespmem:s28+$0xFFFFFE00];
	[tilespmem:s28+$0x160] =	vst v18;
	v15 =	vadd.f32 v19, v0;
	v16 =	vmul.f32 $1.131370830e+01, v17  }
0x176: {  	[tilespmem:s28+$0x170] =	vst v13;
	v6 =	vadd.f32 v14, v6;
	v7 =	vmul.f32 $1.131370830e+01, v8  }
0x177: {  	[tilespmem:s28+$0x180] =	vst v15;
	v5 =	vadd.f32 v16, v5;
	v60 =	vmul.f32 $1.131370830e+01, v9  }
0x178: {  	[tilespmem:s28+$0x190] =	vst v6;
	v4 =	vadd.f32 v7, v4;
	v61 =	vmul.f32 $1.131370830e+01, v10  }
0x179: {  	[tilespmem:s28+$0x1A0] =	vst v5;
	v3 =	vadd.f32 v60, v3;
	v62 =	vmul.f32 $1.131370830e+01, v11  }
0x17a: {  	v63 =	vmul.f32 $1.131370830e+01, v12;
	[tilespmem:s28+$0x1B0] =	vst v4;
	v2 =	vadd.f32 v61, v2  }
0x17b: {  	[tilespmem:s28+$0x1C0] =	vst v3;
	v1 =	vadd.f32 v62, v1  }
0x17c: {  	v0 =	vadd.f32 v63, v0;
	[tilespmem:s28+$0x1D0] =	vst v2  }
0x17d: {  	s26 =	sshrl.u32 s26, $0x3;
	p1 =	seq.s32 s24, $0x63;
	[tilespmem:s28+$0x1E0] =	vst v1  }
.Ltmp7:
0x17e: {  	s26 =	sadd.s32 s26, s7;
	[tilespmem:s28+$0xFFFFFE00] =	vst v0;
	(pc) =	sbr.rel @p1 .LBB2_14-.Ltmp7, $4  }
0x17f: {  	[hbm4b:s26+s14] =	stream.strided.scatter [tilespmem:s18], [sflag:$0x4], $0x4000, s19, s14, $0x38;
	[tilespmem:$0x173C0] =	vst v63  }
0x180: {  	_ =	swait.ge [sflag:s21], $0x4000  }
0x181: {  	[sflag:s21] =	ssyncset.done $0x0  }
0x182: {  	[sflag:s21] =	ssyncadd.s32 $0xFFFFC000  }
.Ltmp8:
0x183: {  	(pc) =	sbr.rel .LBB2_8-.Ltmp8, $4  }
0x184: {  	_ = 	snop  }
0x185: {  	s25 =	sand.u32 $0x3FFFFF00, s25  }
0x186: {  	s24 =	sadd.s32 $0x1, s24;
	s25 =	sadd.s32 $0xD80, s25  }
0x187: {  	[tilespmem:s16], [sflag:$0x1] =	stream.indirect.gather [spmem:s3], $0x80, s25, s14, $0xb8;
	[tilespmem:$0x173C0] =	vst v63  }
.LBB2_15:
0x188: {  	_ =	sfence.sel $0x180000  }
0x189: {  	[bflag:$0x0] =	sbarrier.arrive $0xFFFF  }
0x18a: {  	_ =	strace $0x90000047  }
0x18b: {  	s0 =	sadd.s32 @!p0 $0x100000, s2;
	[bflag:$0x2] =	sbarrier.arrive $0xFFFF  }
0x18c: {  	[sflag:s0] =	ssyncadd.tile.s32 @!p0 $0x1;
	_ =	shalt  }
.Lfunc_end2:
_tile_overlayer_lowered:
.L_overlay_start_2:
0x18d: {  	(tag) =	ssettag $0x2  }
0x18e: {  	s0 =	rddreg [dreg:$0x0];
	s2 =	stileid.u32  }
0x18f: {  	s1 =	rddreg [dreg:$0x1];
	p0 =	sne.s32 s2, $0x0  }
0x190: {  	s3 =	rddreg [dreg:$0x2];
	[bflag:$0x3] =	sbarrier.arrive $0xFFFF;
	s2 =	simm.s32 @!p0 $0x1C05  }
0x191: {  	[timem:s3], [sflag:s2] =	dma.local @!p0 [hbm:s0], s1  }
0x192: {  	s0 =	simm.s32 @!p0 $0x5  }
0x193: {  	_ =	swait.ge @!p0 [sflag:s0], s1  }
0x194: {  	s1 =	ssub.s32 @!p0 $0x0, s1;
	[sflag:s0] =	ssyncset.done @!p0 $0x0  }
0x195: {  	[sflag:s0] =	ssyncadd.s32 @!p0 s1  }
0x196: {  	[bflag:$0x3] =	sbarrier.arrive $0xFFFF  }
0x197: {  	_ =	shalt  }

</sc_bundles>
